<compile_context>
chip_gen: v7x
topology: tpu7x:2x2x1
jax: 0.10.2.dev20260603
libtpu: 0.0.44.dev20260713+nightly
codegen_flags: <defaults>
</compile_context>

<pallas_src>
import functools

import jax
import jax.numpy as jnp
from jax import lax
from jax.experimental import pallas as pl
from jax.experimental.pallas import tpu as pltpu
from jax.experimental.pallas import tpu_sc as plsc

N = 10000
E = 320000
D = 128
DH = D // 2

NC = 2
NS = 16
NW = NC * NS
CH = 125
KH = E // (NW * CH)
C = 125
KA = E // (NS * C)
NB = 4
NP = 10240
RPS = NP // NS

_mesh = plsc.VectorSubcoreMesh(core_axis_name="c", subcore_axis_name="s")


@functools.partial(
    pl.kernel,
    out_type=jax.ShapeDtypeStruct((NC, NP, 16), jnp.float32),
    mesh=_mesh,
    scratch_types=[
        pltpu.VMEM((KH, CH), jnp.int32),
        pltpu.VMEM((CH, 16), jnp.float32),
        pltpu.VMEM_SHARED((NP, 16), jnp.float32),
    ],
    compiler_params=pltpu.CompilerParams(use_tc_tiling_on_sc=False),
)
def _sc_hist(dst_hbm, ones_hbm, zeros_hbm, hist_hbm, idx_v, ones_v, hist_sh):
    c = lax.axis_index("c")
    s = lax.axis_index("s")
    pltpu.sync_copy(zeros_hbm.at[pl.ds(s * RPS, RPS)],
                    hist_sh.at[pl.ds(s * RPS, RPS)])
    pltpu.sync_copy(dst_hbm.at[c, s], idx_v)
    pltpu.sync_copy(ones_hbm, ones_v)
    plsc.subcore_barrier()

    @pl.loop(0, KH)
    def _(k):
        pltpu.sync_copy(ones_v, hist_sh.at[idx_v.at[k]], add=True)

    plsc.subcore_barrier()
    pltpu.sync_copy(hist_sh.at[pl.ds(s * RPS, RPS)],
                    hist_hbm.at[c, pl.ds(s * RPS, RPS)])


@functools.partial(
    pl.kernel,
    out_type=jax.ShapeDtypeStruct((NC, NP, DH), jnp.float32),
    mesh=_mesh,
    scratch_types=[
        pltpu.VMEM((KA, C), jnp.int32),
        pltpu.VMEM((KA, C), jnp.int32),
        pltpu.VMEM((C, DH), jnp.float32),
        pltpu.VMEM((C, DH), jnp.float32),
        pltpu.VMEM((C, DH), jnp.float32),
        pltpu.VMEM((C, DH), jnp.float32),
        pltpu.VMEM_SHARED((NP, DH), jnp.float32),
        pltpu.SemaphoreType.DMA,
        pltpu.SemaphoreType.DMA,
        pltpu.SemaphoreType.DMA,
        pltpu.SemaphoreType.DMA,
        pltpu.SemaphoreType.DMA,
        pltpu.SemaphoreType.DMA,
        pltpu.SemaphoreType.DMA,
        pltpu.SemaphoreType.DMA,
    ],
    compiler_params=pltpu.CompilerParams(use_tc_tiling_on_sc=False),
)
def _sc_aggregate(g_hbm, zeros_hbm, ei_hbm, acc_hbm,
                  src_v, dst_v, r0, r1, r2, r3, acc_sh,
                  g0, g1, g2, g3, s0, s1, s2, s3):
    rows = (r0, r1, r2, r3)
    gs = (g0, g1, g2, g3)
    ss = (s0, s1, s2, s3)
    c = lax.axis_index("c")
    s = lax.axis_index("s")
    pltpu.sync_copy(ei_hbm.at[c * NS + s], src_v)
    pltpu.sync_copy(ei_hbm.at[2 * NS + s], dst_v)

    pltpu.sync_copy(zeros_hbm.at[pl.ds(s * RPS, RPS)],
                    acc_sh.at[pl.ds(s * RPS, RPS)])
    plsc.subcore_barrier()

    for j in range(NB):
        pltpu.async_copy(g_hbm.at[src_v.at[j]], rows[j], gs[j])

    @pl.loop(0, KA, step=NB)
    def _(k):
        for j in range(NB):
            pltpu.make_async_copy(g_hbm.at[src_v.at[k + j]], rows[j],
                                  gs[j]).wait()
            pltpu.async_copy(rows[j], acc_sh.at[dst_v.at[k + j]], ss[j],
                             add=True)
        for j in range(NB):
            @pl.when(k + j + NB < KA)
            def _(j=j):
                pltpu.make_async_copy(rows[j], acc_sh.at[dst_v.at[k + j]],
                                      ss[j]).wait()
                pltpu.async_copy(g_hbm.at[src_v.at[k + j + NB]], rows[j], gs[j])

    for j in range(NB):
        pltpu.make_async_copy(rows[j], acc_sh.at[dst_v.at[KA - NB + j]],
                              ss[j]).wait()

    plsc.subcore_barrier()
    pltpu.sync_copy(acc_sh.at[pl.ds(s * RPS, RPS)],
                    acc_hbm.at[c, pl.ds(s * RPS, RPS)])


def _dis_from_hist128(hist_ref):
    h = hist_ref[...].reshape(NC, NP // 8, 8, 16)[:, :, :, 0]
    deg = 1.0 + (h[0] + h[1]).reshape(NP)[:N]
    return lax.rsqrt(deg)


def _tc_prep_body(emb_ref, w_ref, hist_ref, g_ref, disb_ref):
    hw = jnp.dot(emb_ref[...], w_ref[...], preferred_element_type=jnp.float32)
    dis = _dis_from_hist128(hist_ref)
    g_ref[...] = jnp.pad(hw * dis[:, None], ((0, NP - N), (0, 0)))
    disb_ref[...] = jnp.pad(jnp.broadcast_to(dis[:, None], (N, D)),
                            ((0, NP - N), (0, 0)))


RB = 2000


def _tc_final_body(acc_ref, g_ref, disb_ref, b_ref, o_ref):
    av = acc_ref[...]
    a0 = jnp.stack([av[0, :, :DH], av[0, :, DH:]], axis=1).reshape(RB, DH)
    a1 = jnp.stack([av[1, :, :DH], av[1, :, DH:]], axis=1).reshape(RB, DH)
    agg = jnp.concatenate([a0, a1], axis=1) + g_ref[...]
    o_ref[...] = agg * disb_ref[...] + b_ref[...]


def kernel(x, edge_index, emb_weight, W, b):
    del x
    s2 = edge_index[0] * 2
    ei = jnp.stack([s2, s2 + 1, edge_index[1]]).reshape(3 * NS, KA, C)
    dst_h = ei[2 * NS:].reshape(NC, NS, KH, CH)

    ones16 = jnp.ones((CH, 16), jnp.float32)
    zeros16 = jnp.zeros((NP, 16), jnp.float32)
    zerosD = jnp.zeros((NP, DH), jnp.float32)

    hist = _sc_hist(dst_h, ones16, zeros16)
    hist_r = hist.reshape(NC, NP * 16 // D, D)

    g, disb = pl.pallas_call(
        _tc_prep_body,
        out_shape=(jax.ShapeDtypeStruct((NP, D), jnp.float32),
                   jax.ShapeDtypeStruct((NP, D), jnp.float32)),
    )(emb_weight, W, hist_r)
    g_il = g.reshape(2 * NP, DH)

    acc = _sc_aggregate(g_il, zerosD, ei)
    acc_r = acc.reshape(NC, NP // 2, D)

    out = pl.pallas_call(
        _tc_final_body,
        grid=(N // RB,),
        in_specs=[
            pl.BlockSpec((NC, RB // 2, D), lambda i: (0, i, 0)),
            pl.BlockSpec((RB, D), lambda i: (i, 0)),
            pl.BlockSpec((RB, D), lambda i: (i, 0)),
            pl.BlockSpec((1, D), lambda i: (0, 0)),
        ],
        out_specs=pl.BlockSpec((RB, D), lambda i: (i, 0)),
        out_shape=jax.ShapeDtypeStruct((N, D), jnp.float32),
    )(acc_r, g, disb, b.reshape(1, D))
    return out

# --- scband reference (transcript-rebuilt; emitter-appended) ---
"""Pipeline reference for scband-gcn-69724499083376 (READ-ONLY COPY).

The authoritative reference and input builder live on the scoring server;
editing this copy changes nothing except your own understanding.
"""

import jax, jax.numpy as jnp
import numpy as np

N = 10000
E = 320000
D_IN = 128
D_OUT = 128


def setup_inputs(seed: int = 0) -> dict:
    key = jax.random.key(seed)
    k1, k2, k3, k4 = jax.random.split(key, 4)
    x = jax.random.normal(k1, (N, D_IN), dtype=jnp.float32)
    edge_index = jax.random.randint(k2, (2, E), 0, N, dtype=jnp.int32)
    # learned parameters
    emb_weight = jax.random.normal(k3, (N, D_IN), dtype=jnp.float32) * 0.1  # emb.weight (num_embeddings=N, dim=in_channels)
    W = jax.random.normal(k4, (D_IN, D_OUT), dtype=jnp.float32) * (1.0 / np.sqrt(D_IN))  # GCNConv linear weight
    b = jnp.zeros((D_OUT,), dtype=jnp.float32)  # GCNConv bias
    return {"x": x, "edge_index": edge_index, "emb_weight": emb_weight, "W": W, "b": b}


def gcn_conv(h, edge_index, W, b):
    # PyG GCNConv: add self-loops, symmetric normalization, linear, aggregate, bias
    src = edge_index[0]
    dst = edge_index[1]
    loop = jnp.arange(N, dtype=src.dtype)
    src = jnp.concatenate([src, loop])
    dst = jnp.concatenate([dst, loop])
    deg = jnp.zeros((N,), dtype=jnp.float32).at[dst].add(1.0)
    deg_inv_sqrt = jnp.where(deg > 0, 1.0 / jnp.sqrt(deg), 0.0)
    norm = deg_inv_sqrt[src] * deg_inv_sqrt[dst]
    hw = h @ W
    msg = hw[src] * norm[:, None]
    out = jnp.zeros((N, hw.shape[1]), dtype=hw.dtype).at[dst].add(msg)
    return out + b


def reference(x, edge_index, emb_weight, W, b):
    # forward: x is overwritten by emb.weight (the input x is unused beyond shape)
    h = emb_weight
    # F.dropout(p=0.3) in eval mode is identity (deterministic reference)
    return gcn_conv(h, edge_index, W, b)

if __name__ == "__main__":
    import jax
    _d = setup_inputs()
    print(jax.jit(kernel)(*tuple(_d.values())))

</pallas_src>

<mosaic_0001>
#map = affine_map<(d0, d1) -> (0, 0)>
#map1 = affine_map<(d0, d1) -> (0, 0, 0)>
module attributes {stable_mosaic.version = 14 : i64} {
  func.func @_sc_aggregate(%arg0: i32, %arg1: i32, %arg2: memref<20480x64xf32, #tpu.memory_space<hbm>>, %arg3: memref<10240x64xf32, #tpu.memory_space<hbm>>, %arg4: memref<48x160x125xi32, #tpu.memory_space<hbm>>, %arg5: memref<2x10240x64xf32, #tpu.memory_space<hbm>>, %arg6: memref<160x125xi32, #tpu.memory_space<vmem>>, %arg7: memref<160x125xi32, #tpu.memory_space<vmem>>, %arg8: memref<125x64xf32, #tpu.memory_space<vmem>>, %arg9: memref<125x64xf32, #tpu.memory_space<vmem>>, %arg10: memref<125x64xf32, #tpu.memory_space<vmem>>, %arg11: memref<125x64xf32, #tpu.memory_space<vmem>>, %arg12: memref<10240x64xf32, #tpu.memory_space<vmem_shared>>, %arg13: memref<!tpu.dma_semaphore, #tpu.memory_space<semaphore_mem>>, %arg14: memref<!tpu.dma_semaphore, #tpu.memory_space<semaphore_mem>>, %arg15: memref<!tpu.dma_semaphore, #tpu.memory_space<semaphore_mem>>, %arg16: memref<!tpu.dma_semaphore, #tpu.memory_space<semaphore_mem>>, %arg17: memref<!tpu.dma_semaphore, #tpu.memory_space<semaphore_mem>>, %arg18: memref<!tpu.dma_semaphore, #tpu.memory_space<semaphore_mem>>, %arg19: memref<!tpu.dma_semaphore, #tpu.memory_space<semaphore_mem>>, %arg20: memref<!tpu.dma_semaphore, #tpu.memory_space<semaphore_mem>>) attributes {dimension_semantics = [#tpu.dimension_semantics<core_parallel>, #tpu.dimension_semantics<subcore_parallel>], iteration_bounds = array<i64: 2, 16>, scalar_prefetch = 0 : i64, scratch_operands = 15 : i64, tpu.core_type = #tpu.core_type<sc_vector_subcore>, window_params = [{transform_indices = #map}, {transform_indices = #map}, {transform_indices = #map1}, {transform_indices = #map1}]} {
    %mul3A = arith.constant 16 : i32
    %mul3A_0 = arith.muli %arg0, %mul3A : i32
    %add3A = arith.addi %mul3A_0, %arg1 : i32
    "tpu.region"() ({
      %run_scoped3A = tpu.sem_alloc : memref<!tpu.dma_semaphore, #tpu.memory_space<semaphore_mem>>
      %dma_start3A_70 = arith.constant 0 : i32
      %dma_start3A_71 = arith.constant 0 : i32
      %dma_start3A_72 = tpu.memref_slice %arg4[%add3A, %dma_start3A_70, %dma_start3A_71] : memref<48x160x125xi32, #tpu.memory_space<hbm>> -> memref<1x160x125xi32, #tpu.memory_space<hbm>>
      %dma_start3A_73 = tpu.memref_squeeze %dma_start3A_72 : memref<1x160x125xi32, #tpu.memory_space<hbm>> -> memref<160x125xi32, #tpu.memory_space<hbm>>
      %dma_start3A_74 = arith.constant 0 : i32
      %dma_start3A_75 = arith.constant 0 : i32
      %dma_start3A_76 = tpu.memref_slice %arg4[%add3A, %dma_start3A_74, %dma_start3A_75] : memref<48x160x125xi32, #tpu.memory_space<hbm>> -> memref<1x160x125xi32, #tpu.memory_space<hbm>>
      %dma_start3A_77 = tpu.memref_squeeze %dma_start3A_76 : memref<1x160x125xi32, #tpu.memory_space<hbm>> -> memref<160x125xi32, #tpu.memory_space<hbm>>
      tpu.enqueue_dma source(%dma_start3A_77 : memref<160x125xi32, #tpu.memory_space<hbm>>) target(%arg6 : memref<160x125xi32, #tpu.memory_space<vmem>>) target_semaphore(%run_scoped3A : memref<!tpu.dma_semaphore, #tpu.memory_space<semaphore_mem>>)
      %dma_wait3A_78 = arith.constant 0 : i32
      %dma_wait3A_79 = arith.constant 0 : i32
      %dma_wait3A_80 = tpu.memref_slice %arg4[%add3A, %dma_wait3A_78, %dma_wait3A_79] : memref<48x160x125xi32, #tpu.memory_space<hbm>> -> memref<1x160x125xi32, #tpu.memory_space<hbm>>
      %dma_wait3A_81 = tpu.memref_squeeze %dma_wait3A_80 : memref<1x160x125xi32, #tpu.memory_space<hbm>> -> memref<160x125xi32, #tpu.memory_space<hbm>>
      %dma_wait3A_82 = arith.constant 0 : i32
      %dma_wait3A_83 = arith.constant 0 : i32
      %dma_wait3A_84 = tpu.memref_slice %arg4[%add3A, %dma_wait3A_82, %dma_wait3A_83] : memref<48x160x125xi32, #tpu.memory_space<hbm>> -> memref<1x160x125xi32, #tpu.memory_space<hbm>>
      %dma_wait3A_85 = tpu.memref_squeeze %dma_wait3A_84 : memref<1x160x125xi32, #tpu.memory_space<hbm>> -> memref<160x125xi32, #tpu.memory_space<hbm>>
      tpu.wait_dma2 semaphore(%run_scoped3A : memref<!tpu.dma_semaphore, #tpu.memory_space<semaphore_mem>>) src(%dma_wait3A_85 : memref<160x125xi32, #tpu.memory_space<hbm>>) dst(%arg6 : memref<160x125xi32, #tpu.memory_space<vmem>>)
      tpu.yield
    }) : () -> ()
    %add3A_1 = arith.constant 32 : i32
    %add3A_2 = arith.addi %add3A_1, %arg1 : i32
    "tpu.region"() ({
      %run_scoped3A = tpu.sem_alloc : memref<!tpu.dma_semaphore, #tpu.memory_space<semaphore_mem>>
      %dma_start3A_70 = arith.constant 0 : i32
      %dma_start3A_71 = arith.constant 0 : i32
      %dma_start3A_72 = tpu.memref_slice %arg4[%add3A_2, %dma_start3A_70, %dma_start3A_71] : memref<48x160x125xi32, #tpu.memory_space<hbm>> -> memref<1x160x125xi32, #tpu.memory_space<hbm>>
      %dma_start3A_73 = tpu.memref_squeeze %dma_start3A_72 : memref<1x160x125xi32, #tpu.memory_space<hbm>> -> memref<160x125xi32, #tpu.memory_space<hbm>>
      %dma_start3A_74 = arith.constant 0 : i32
      %dma_start3A_75 = arith.constant 0 : i32
      %dma_start3A_76 = tpu.memref_slice %arg4[%add3A_2, %dma_start3A_74, %dma_start3A_75] : memref<48x160x125xi32, #tpu.memory_space<hbm>> -> memref<1x160x125xi32, #tpu.memory_space<hbm>>
      %dma_start3A_77 = tpu.memref_squeeze %dma_start3A_76 : memref<1x160x125xi32, #tpu.memory_space<hbm>> -> memref<160x125xi32, #tpu.memory_space<hbm>>
      tpu.enqueue_dma source(%dma_start3A_77 : memref<160x125xi32, #tpu.memory_space<hbm>>) target(%arg7 : memref<160x125xi32, #tpu.memory_space<vmem>>) target_semaphore(%run_scoped3A : memref<!tpu.dma_semaphore, #tpu.memory_space<semaphore_mem>>)
      %dma_wait3A_78 = arith.constant 0 : i32
      %dma_wait3A_79 = arith.constant 0 : i32
      %dma_wait3A_80 = tpu.memref_slice %arg4[%add3A_2, %dma_wait3A_78, %dma_wait3A_79] : memref<48x160x125xi32, #tpu.memory_space<hbm>> -> memref<1x160x125xi32, #tpu.memory_space<hbm>>
      %dma_wait3A_81 = tpu.memref_squeeze %dma_wait3A_80 : memref<1x160x125xi32, #tpu.memory_space<hbm>> -> memref<160x125xi32, #tpu.memory_space<hbm>>
      %dma_wait3A_82 = arith.constant 0 : i32
      %dma_wait3A_83 = arith.constant 0 : i32
      %dma_wait3A_84 = tpu.memref_slice %arg4[%add3A_2, %dma_wait3A_82, %dma_wait3A_83] : memref<48x160x125xi32, #tpu.memory_space<hbm>> -> memref<1x160x125xi32, #tpu.memory_space<hbm>>
      %dma_wait3A_85 = tpu.memref_squeeze %dma_wait3A_84 : memref<1x160x125xi32, #tpu.memory_space<hbm>> -> memref<160x125xi32, #tpu.memory_space<hbm>>
      tpu.wait_dma2 semaphore(%run_scoped3A : memref<!tpu.dma_semaphore, #tpu.memory_space<semaphore_mem>>) src(%dma_wait3A_85 : memref<160x125xi32, #tpu.memory_space<hbm>>) dst(%arg7 : memref<160x125xi32, #tpu.memory_space<vmem>>)
      tpu.yield
    }) : () -> ()
    %mul3A_3 = arith.constant 640 : i32
    %mul3A_4 = arith.muli %arg1, %mul3A_3 : i32
    %mul3A_5 = arith.constant 640 : i32
    %mul3A_6 = arith.muli %arg1, %mul3A_5 : i32
    "tpu.region"() ({
      %run_scoped3A = tpu.sem_alloc : memref<!tpu.dma_semaphore, #tpu.memory_space<semaphore_mem>>
      %dma_start3A_70 = arith.constant 0 : i32
      %dma_start3A_71 = tpu.memref_slice %arg12[%mul3A_6, %dma_start3A_70] : memref<10240x64xf32, #tpu.memory_space<vmem_shared>> -> memref<640x64xf32, #tpu.memory_space<vmem_shared>>
      %dma_start3A_72 = arith.constant 0 : i32
      %dma_start3A_73 = tpu.memref_slice %arg3[%mul3A_4, %dma_start3A_72] : memref<10240x64xf32, #tpu.memory_space<hbm>> -> memref<640x64xf32, #tpu.memory_space<hbm>>
      tpu.enqueue_dma source(%dma_start3A_73 : memref<640x64xf32, #tpu.memory_space<hbm>>) target(%dma_start3A_71 : memref<640x64xf32, #tpu.memory_space<vmem_shared>>) target_semaphore(%run_scoped3A : memref<!tpu.dma_semaphore, #tpu.memory_space<semaphore_mem>>)
      %dma_wait3A_74 = arith.constant 0 : i32
      %dma_wait3A_75 = tpu.memref_slice %arg12[%mul3A_6, %dma_wait3A_74] : memref<10240x64xf32, #tpu.memory_space<vmem_shared>> -> memref<640x64xf32, #tpu.memory_space<vmem_shared>>
      %dma_wait3A_76 = arith.constant 0 : i32
      %dma_wait3A_77 = tpu.memref_slice %arg3[%mul3A_4, %dma_wait3A_76] : memref<10240x64xf32, #tpu.memory_space<hbm>> -> memref<640x64xf32, #tpu.memory_space<hbm>>
      tpu.wait_dma2 semaphore(%run_scoped3A : memref<!tpu.dma_semaphore, #tpu.memory_space<semaphore_mem>>) src(%dma_wait3A_77 : memref<640x64xf32, #tpu.memory_space<hbm>>) dst(%dma_wait3A_75 : memref<640x64xf32, #tpu.memory_space<vmem_shared>>)
      tpu.yield
    }) : () -> ()
    %barrier3A = arith.constant 0 : index
    tpu.barrier barrier_id(%barrier3A)
    %dma_start3A = arith.constant 0 : i32
    %dma_start3A_7 = arith.constant 0 : i32
    %dma_start3A_8 = tpu.memref_slice %arg6[%dma_start3A, %dma_start3A_7] : memref<160x125xi32, #tpu.memory_space<vmem>> -> memref<1x125xi32, #tpu.memory_space<vmem>>
    %dma_start3A_9 = tpu.memref_squeeze %dma_start3A_8 : memref<1x125xi32, #tpu.memory_space<vmem>> -> memref<125xi32, #tpu.memory_space<vmem>>
    %dma_start3A_10 = arith.constant 0 : i32
    %dma_start3A_11 = arith.constant 0 : i32
    %dma_start3A_12 = tpu.memref_slice %arg2[%dma_start3A_10, %dma_start3A_11] : memref<20480x64xf32, #tpu.memory_space<hbm>> -> memref<20480x64xf32, #tpu.memory_space<hbm>>
    tpu.enqueue_indirect_dma source(%dma_start3A_12 : memref<20480x64xf32, #tpu.memory_space<hbm>>) target(%arg8 : memref<125x64xf32, #tpu.memory_space<vmem>>) offsets(%dma_start3A_9 : memref<125xi32, #tpu.memory_space<vmem>>) semaphore(%arg13 : memref<!tpu.dma_semaphore, #tpu.memory_space<semaphore_mem>>)
    %dma_start3A_13 = arith.constant 1 : i32
    %dma_start3A_14 = arith.constant 0 : i32
    %dma_start3A_15 = tpu.memref_slice %arg6[%dma_start3A_13, %dma_start3A_14] : memref<160x125xi32, #tpu.memory_space<vmem>> -> memref<1x125xi32, #tpu.memory_space<vmem>>
    %dma_start3A_16 = tpu.memref_squeeze %dma_start3A_15 : memref<1x125xi32, #tpu.memory_space<vmem>> -> memref<125xi32, #tpu.memory_space<vmem>>
    %dma_start3A_17 = arith.constant 0 : i32
    %dma_start3A_18 = arith.constant 0 : i32
    %dma_start3A_19 = tpu.memref_slice %arg2[%dma_start3A_17, %dma_start3A_18] : memref<20480x64xf32, #tpu.memory_space<hbm>> -> memref<20480x64xf32, #tpu.memory_space<hbm>>
    tpu.enqueue_indirect_dma source(%dma_start3A_19 : memref<20480x64xf32, #tpu.memory_space<hbm>>) target(%arg9 : memref<125x64xf32, #tpu.memory_space<vmem>>) offsets(%dma_start3A_16 : memref<125xi32, #tpu.memory_space<vmem>>) semaphore(%arg14 : memref<!tpu.dma_semaphore, #tpu.memory_space<semaphore_mem>>)
    %dma_start3A_20 = arith.constant 2 : i32
    %dma_start3A_21 = arith.constant 0 : i32
    %dma_start3A_22 = tpu.memref_slice %arg6[%dma_start3A_20, %dma_start3A_21] : memref<160x125xi32, #tpu.memory_space<vmem>> -> memref<1x125xi32, #tpu.memory_space<vmem>>
    %dma_start3A_23 = tpu.memref_squeeze %dma_start3A_22 : memref<1x125xi32, #tpu.memory_space<vmem>> -> memref<125xi32, #tpu.memory_space<vmem>>
    %dma_start3A_24 = arith.constant 0 : i32
    %dma_start3A_25 = arith.constant 0 : i32
    %dma_start3A_26 = tpu.memref_slice %arg2[%dma_start3A_24, %dma_start3A_25] : memref<20480x64xf32, #tpu.memory_space<hbm>> -> memref<20480x64xf32, #tpu.memory_space<hbm>>
    tpu.enqueue_indirect_dma source(%dma_start3A_26 : memref<20480x64xf32, #tpu.memory_space<hbm>>) target(%arg10 : memref<125x64xf32, #tpu.memory_space<vmem>>) offsets(%dma_start3A_23 : memref<125xi32, #tpu.memory_space<vmem>>) semaphore(%arg15 : memref<!tpu.dma_semaphore, #tpu.memory_space<semaphore_mem>>)
    %dma_start3A_27 = arith.constant 3 : i32
    %dma_start3A_28 = arith.constant 0 : i32
    %dma_start3A_29 = tpu.memref_slice %arg6[%dma_start3A_27, %dma_start3A_28] : memref<160x125xi32, #tpu.memory_space<vmem>> -> memref<1x125xi32, #tpu.memory_space<vmem>>
    %dma_start3A_30 = tpu.memref_squeeze %dma_start3A_29 : memref<1x125xi32, #tpu.memory_space<vmem>> -> memref<125xi32, #tpu.memory_space<vmem>>
    %dma_start3A_31 = arith.constant 0 : i32
    %dma_start3A_32 = arith.constant 0 : i32
    %dma_start3A_33 = tpu.memref_slice %arg2[%dma_start3A_31, %dma_start3A_32] : memref<20480x64xf32, #tpu.memory_space<hbm>> -> memref<20480x64xf32, #tpu.memory_space<hbm>>
    tpu.enqueue_indirect_dma source(%dma_start3A_33 : memref<20480x64xf32, #tpu.memory_space<hbm>>) target(%arg11 : memref<125x64xf32, #tpu.memory_space<vmem>>) offsets(%dma_start3A_30 : memref<125xi32, #tpu.memory_space<vmem>>) semaphore(%arg16 : memref<!tpu.dma_semaphore, #tpu.memory_space<semaphore_mem>>)
    %scan3A = arith.constant 0 : i32
    %scan3A_34 = arith.constant 40 : i32
    %scan3A_35 = arith.addi %scan3A, %scan3A_34 : i32
    %scan3A_36 = arith.constant 1 : i32
    scf.for %scan3A_70 = %scan3A to %scan3A_35 step %scan3A_36  : i32 {
      %mul3A_71 = arith.constant 4 : i32
      %mul3A_72 = arith.muli %scan3A_70, %mul3A_71 : i32
      %add3A_73 = arith.constant 0 : i32
      %add3A_74 = arith.addi %add3A_73, %mul3A_72 : i32
      %add3A_75 = arith.constant 0 : i32
      %add3A_76 = arith.addi %add3A_74, %add3A_75 : i32
      %dma_wait3A_77 = arith.constant 0 : i32
      %dma_wait3A_78 = tpu.memref_slice %arg6[%add3A_76, %dma_wait3A_77] : memref<160x125xi32, #tpu.memory_space<vmem>> -> memref<1x125xi32, #tpu.memory_space<vmem>>
      %dma_wait3A_79 = tpu.memref_squeeze %dma_wait3A_78 : memref<1x125xi32, #tpu.memory_space<vmem>> -> memref<125xi32, #tpu.memory_space<vmem>>
      %dma_wait3A_80 = arith.constant 0 : i32
      %dma_wait3A_81 = arith.constant 0 : i32
      %dma_wait3A_82 = tpu.memref_slice %arg2[%dma_wait3A_80, %dma_wait3A_81] : memref<20480x64xf32, #tpu.memory_space<hbm>> -> memref<20480x64xf32, #tpu.memory_space<hbm>>
      tpu.wait_indirect_dma semaphore(%arg13 : memref<!tpu.dma_semaphore, #tpu.memory_space<semaphore_mem>>) src(%dma_wait3A_82 : memref<20480x64xf32, #tpu.memory_space<hbm>>) dst(%arg8 : memref<125x64xf32, #tpu.memory_space<vmem>>)
      %add3A_83 = arith.constant 0 : i32
      %add3A_84 = arith.addi %add3A_74, %add3A_83 : i32
      %dma_start3A_85 = arith.constant 0 : i32
      %dma_start3A_86 = tpu.memref_slice %arg7[%add3A_84, %dma_start3A_85] : memref<160x125xi32, #tpu.memory_space<vmem>> -> memref<1x125xi32, #tpu.memory_space<vmem>>
      %dma_start3A_87 = tpu.memref_squeeze %dma_start3A_86 : memref<1x125xi32, #tpu.memory_space<vmem>> -> memref<125xi32, #tpu.memory_space<vmem>>
      %dma_start3A_88 = arith.constant 0 : i32
      %dma_start3A_89 = arith.constant 0 : i32
      %dma_start3A_90 = tpu.memref_slice %arg12[%dma_start3A_88, %dma_start3A_89] : memref<10240x64xf32, #tpu.memory_space<vmem_shared>> -> memref<10240x64xf32, #tpu.memory_space<vmem_shared>>
      tpu.enqueue_indirect_dma source(%arg8 : memref<125x64xf32, #tpu.memory_space<vmem>>) target(%dma_start3A_90 : memref<10240x64xf32, #tpu.memory_space<vmem_shared>>) offsets(%dma_start3A_87 : memref<125xi32, #tpu.memory_space<vmem>>) semaphore(%arg17 : memref<!tpu.dma_semaphore, #tpu.memory_space<semaphore_mem>>) {add = true}
      %add3A_91 = arith.constant 1 : i32
      %add3A_92 = arith.addi %add3A_74, %add3A_91 : i32
      %dma_wait3A_93 = arith.constant 0 : i32
      %dma_wait3A_94 = tpu.memref_slice %arg6[%add3A_92, %dma_wait3A_93] : memref<160x125xi32, #tpu.memory_space<vmem>> -> memref<1x125xi32, #tpu.memory_space<vmem>>
      %dma_wait3A_95 = tpu.memref_squeeze %dma_wait3A_94 : memref<1x125xi32, #tpu.memory_space<vmem>> -> memref<125xi32, #tpu.memory_space<vmem>>
      %dma_wait3A_96 = arith.constant 0 : i32
      %dma_wait3A_97 = arith.constant 0 : i32
      %dma_wait3A_98 = tpu.memref_slice %arg2[%dma_wait3A_96, %dma_wait3A_97] : memref<20480x64xf32, #tpu.memory_space<hbm>> -> memref<20480x64xf32, #tpu.memory_space<hbm>>
      tpu.wait_indirect_dma semaphore(%arg14 : memref<!tpu.dma_semaphore, #tpu.memory_space<semaphore_mem>>) src(%dma_wait3A_98 : memref<20480x64xf32, #tpu.memory_space<hbm>>) dst(%arg9 : memref<125x64xf32, #tpu.memory_space<vmem>>)
      %add3A_99 = arith.constant 1 : i32
      %add3A_100 = arith.addi %add3A_74, %add3A_99 : i32
      %dma_start3A_101 = arith.constant 0 : i32
      %dma_start3A_102 = tpu.memref_slice %arg7[%add3A_100, %dma_start3A_101] : memref<160x125xi32, #tpu.memory_space<vmem>> -> memref<1x125xi32, #tpu.memory_space<vmem>>
      %dma_start3A_103 = tpu.memref_squeeze %dma_start3A_102 : memref<1x125xi32, #tpu.memory_space<vmem>> -> memref<125xi32, #tpu.memory_space<vmem>>
      %dma_start3A_104 = arith.constant 0 : i32
      %dma_start3A_105 = arith.constant 0 : i32
      %dma_start3A_106 = tpu.memref_slice %arg12[%dma_start3A_104, %dma_start3A_105] : memref<10240x64xf32, #tpu.memory_space<vmem_shared>> -> memref<10240x64xf32, #tpu.memory_space<vmem_shared>>
      tpu.enqueue_indirect_dma source(%arg9 : memref<125x64xf32, #tpu.memory_space<vmem>>) target(%dma_start3A_106 : memref<10240x64xf32, #tpu.memory_space<vmem_shared>>) offsets(%dma_start3A_103 : memref<125xi32, #tpu.memory_space<vmem>>) semaphore(%arg18 : memref<!tpu.dma_semaphore, #tpu.memory_space<semaphore_mem>>) {add = true}
      %add3A_107 = arith.constant 2 : i32
      %add3A_108 = arith.addi %add3A_74, %add3A_107 : i32
      %dma_wait3A_109 = arith.constant 0 : i32
      %dma_wait3A_110 = tpu.memref_slice %arg6[%add3A_108, %dma_wait3A_109] : memref<160x125xi32, #tpu.memory_space<vmem>> -> memref<1x125xi32, #tpu.memory_space<vmem>>
      %dma_wait3A_111 = tpu.memref_squeeze %dma_wait3A_110 : memref<1x125xi32, #tpu.memory_space<vmem>> -> memref<125xi32, #tpu.memory_space<vmem>>
      %dma_wait3A_112 = arith.constant 0 : i32
      %dma_wait3A_113 = arith.constant 0 : i32
      %dma_wait3A_114 = tpu.memref_slice %arg2[%dma_wait3A_112, %dma_wait3A_113] : memref<20480x64xf32, #tpu.memory_space<hbm>> -> memref<20480x64xf32, #tpu.memory_space<hbm>>
      tpu.wait_indirect_dma semaphore(%arg15 : memref<!tpu.dma_semaphore, #tpu.memory_space<semaphore_mem>>) src(%dma_wait3A_114 : memref<20480x64xf32, #tpu.memory_space<hbm>>) dst(%arg10 : memref<125x64xf32, #tpu.memory_space<vmem>>)
      %add3A_115 = arith.constant 2 : i32
      %add3A_116 = arith.addi %add3A_74, %add3A_115 : i32
      %dma_start3A_117 = arith.constant 0 : i32
      %dma_start3A_118 = tpu.memref_slice %arg7[%add3A_116, %dma_start3A_117] : memref<160x125xi32, #tpu.memory_space<vmem>> -> memref<1x125xi32, #tpu.memory_space<vmem>>
      %dma_start3A_119 = tpu.memref_squeeze %dma_start3A_118 : memref<1x125xi32, #tpu.memory_space<vmem>> -> memref<125xi32, #tpu.memory_space<vmem>>
      %dma_start3A_120 = arith.constant 0 : i32
      %dma_start3A_121 = arith.constant 0 : i32
      %dma_start3A_122 = tpu.memref_slice %arg12[%dma_start3A_120, %dma_start3A_121] : memref<10240x64xf32, #tpu.memory_space<vmem_shared>> -> memref<10240x64xf32, #tpu.memory_space<vmem_shared>>
      tpu.enqueue_indirect_dma source(%arg10 : memref<125x64xf32, #tpu.memory_space<vmem>>) target(%dma_start3A_122 : memref<10240x64xf32, #tpu.memory_space<vmem_shared>>) offsets(%dma_start3A_119 : memref<125xi32, #tpu.memory_space<vmem>>) semaphore(%arg19 : memref<!tpu.dma_semaphore, #tpu.memory_space<semaphore_mem>>) {add = true}
      %add3A_123 = arith.constant 3 : i32
      %add3A_124 = arith.addi %add3A_74, %add3A_123 : i32
      %dma_wait3A_125 = arith.constant 0 : i32
      %dma_wait3A_126 = tpu.memref_slice %arg6[%add3A_124, %dma_wait3A_125] : memref<160x125xi32, #tpu.memory_space<vmem>> -> memref<1x125xi32, #tpu.memory_space<vmem>>
      %dma_wait3A_127 = tpu.memref_squeeze %dma_wait3A_126 : memref<1x125xi32, #tpu.memory_space<vmem>> -> memref<125xi32, #tpu.memory_space<vmem>>
      %dma_wait3A_128 = arith.constant 0 : i32
      %dma_wait3A_129 = arith.constant 0 : i32
      %dma_wait3A_130 = tpu.memref_slice %arg2[%dma_wait3A_128, %dma_wait3A_129] : memref<20480x64xf32, #tpu.memory_space<hbm>> -> memref<20480x64xf32, #tpu.memory_space<hbm>>
      tpu.wait_indirect_dma semaphore(%arg16 : memref<!tpu.dma_semaphore, #tpu.memory_space<semaphore_mem>>) src(%dma_wait3A_130 : memref<20480x64xf32, #tpu.memory_space<hbm>>) dst(%arg11 : memref<125x64xf32, #tpu.memory_space<vmem>>)
      %add3A_131 = arith.constant 3 : i32
      %add3A_132 = arith.addi %add3A_74, %add3A_131 : i32
      %dma_start3A_133 = arith.constant 0 : i32
      %dma_start3A_134 = tpu.memref_slice %arg7[%add3A_132, %dma_start3A_133] : memref<160x125xi32, #tpu.memory_space<vmem>> -> memref<1x125xi32, #tpu.memory_space<vmem>>
      %dma_start3A_135 = tpu.memref_squeeze %dma_start3A_134 : memref<1x125xi32, #tpu.memory_space<vmem>> -> memref<125xi32, #tpu.memory_space<vmem>>
      %dma_start3A_136 = arith.constant 0 : i32
      %dma_start3A_137 = arith.constant 0 : i32
      %dma_start3A_138 = tpu.memref_slice %arg12[%dma_start3A_136, %dma_start3A_137] : memref<10240x64xf32, #tpu.memory_space<vmem_shared>> -> memref<10240x64xf32, #tpu.memory_space<vmem_shared>>
      tpu.enqueue_indirect_dma source(%arg11 : memref<125x64xf32, #tpu.memory_space<vmem>>) target(%dma_start3A_138 : memref<10240x64xf32, #tpu.memory_space<vmem_shared>>) offsets(%dma_start3A_135 : memref<125xi32, #tpu.memory_space<vmem>>) semaphore(%arg20 : memref<!tpu.dma_semaphore, #tpu.memory_space<semaphore_mem>>) {add = true}
      %add3A_139 = arith.constant 0 : i32
      %add3A_140 = arith.addi %add3A_74, %add3A_139 : i32
      %add3A_141 = arith.constant 4 : i32
      %add3A_142 = arith.addi %add3A_140, %add3A_141 : i32
      %lt3A = arith.constant 160 : i32
      %lt3A_143 = arith.cmpi slt, %add3A_142, %lt3A : i32
      %convert_element_type3A = arith.extui %lt3A_143 : i1 to i32
      %cond3A = arith.constant 0 : i32
      %cond3A_144 = arith.cmpi ne, %convert_element_type3A, %cond3A : i32
      scf.if %cond3A_144 {
        %add3A_172 = arith.constant 0 : i32
        %add3A_173 = arith.addi %add3A_74, %add3A_172 : i32
        %dma_wait3A_174 = arith.constant 0 : i32
        %dma_wait3A_175 = tpu.memref_slice %arg7[%add3A_173, %dma_wait3A_174] : memref<160x125xi32, #tpu.memory_space<vmem>> -> memref<1x125xi32, #tpu.memory_space<vmem>>
        %dma_wait3A_176 = tpu.memref_squeeze %dma_wait3A_175 : memref<1x125xi32, #tpu.memory_space<vmem>> -> memref<125xi32, #tpu.memory_space<vmem>>
        %dma_wait3A_177 = arith.constant 0 : i32
        %dma_wait3A_178 = arith.constant 0 : i32
        %dma_wait3A_179 = tpu.memref_slice %arg12[%dma_wait3A_177, %dma_wait3A_178] : memref<10240x64xf32, #tpu.memory_space<vmem_shared>> -> memref<10240x64xf32, #tpu.memory_space<vmem_shared>>
        tpu.wait_indirect_dma semaphore(%arg17 : memref<!tpu.dma_semaphore, #tpu.memory_space<semaphore_mem>>) src(%arg8 : memref<125x64xf32, #tpu.memory_space<vmem>>) dst(%dma_wait3A_179 : memref<10240x64xf32, #tpu.memory_space<vmem_shared>>)
        %add3A_180 = arith.constant 0 : i32
        %add3A_181 = arith.addi %add3A_74, %add3A_180 : i32
        %add3A_182 = arith.constant 4 : i32
        %add3A_183 = arith.addi %add3A_181, %add3A_182 : i32
        %dma_start3A_184 = arith.constant 0 : i32
        %dma_start3A_185 = tpu.memref_slice %arg6[%add3A_183, %dma_start3A_184] : memref<160x125xi32, #tpu.memory_space<vmem>> -> memref<1x125xi32, #tpu.memory_space<vmem>>
        %dma_start3A_186 = tpu.memref_squeeze %dma_start3A_185 : memref<1x125xi32, #tpu.memory_space<vmem>> -> memref<125xi32, #tpu.memory_space<vmem>>
        %dma_start3A_187 = arith.constant 0 : i32
        %dma_start3A_188 = arith.constant 0 : i32
        %dma_start3A_189 = tpu.memref_slice %arg2[%dma_start3A_187, %dma_start3A_188] : memref<20480x64xf32, #tpu.memory_space<hbm>> -> memref<20480x64xf32, #tpu.memory_space<hbm>>
        tpu.enqueue_indirect_dma source(%dma_start3A_189 : memref<20480x64xf32, #tpu.memory_space<hbm>>) target(%arg8 : memref<125x64xf32, #tpu.memory_space<vmem>>) offsets(%dma_start3A_186 : memref<125xi32, #tpu.memory_space<vmem>>) semaphore(%arg13 : memref<!tpu.dma_semaphore, #tpu.memory_space<semaphore_mem>>)
      } else {
      }
      %add3A_145 = arith.constant 1 : i32
      %add3A_146 = arith.addi %add3A_74, %add3A_145 : i32
      %add3A_147 = arith.constant 4 : i32
      %add3A_148 = arith.addi %add3A_146, %add3A_147 : i32
      %lt3A_149 = arith.constant 160 : i32
      %lt3A_150 = arith.cmpi slt, %add3A_148, %lt3A_149 : i32
      %convert_element_type3A_151 = arith.extui %lt3A_150 : i1 to i32
      %cond3A_152 = arith.constant 0 : i32
      %cond3A_153 = arith.cmpi ne, %convert_element_type3A_151, %cond3A_152 : i32
      scf.if %cond3A_153 {
        %add3A_172 = arith.constant 1 : i32
        %add3A_173 = arith.addi %add3A_74, %add3A_172 : i32
        %dma_wait3A_174 = arith.constant 0 : i32
        %dma_wait3A_175 = tpu.memref_slice %arg7[%add3A_173, %dma_wait3A_174] : memref<160x125xi32, #tpu.memory_space<vmem>> -> memref<1x125xi32, #tpu.memory_space<vmem>>
        %dma_wait3A_176 = tpu.memref_squeeze %dma_wait3A_175 : memref<1x125xi32, #tpu.memory_space<vmem>> -> memref<125xi32, #tpu.memory_space<vmem>>
        %dma_wait3A_177 = arith.constant 0 : i32
        %dma_wait3A_178 = arith.constant 0 : i32
        %dma_wait3A_179 = tpu.memref_slice %arg12[%dma_wait3A_177, %dma_wait3A_178] : memref<10240x64xf32, #tpu.memory_space<vmem_shared>> -> memref<10240x64xf32, #tpu.memory_space<vmem_shared>>
        tpu.wait_indirect_dma semaphore(%arg18 : memref<!tpu.dma_semaphore, #tpu.memory_space<semaphore_mem>>) src(%arg9 : memref<125x64xf32, #tpu.memory_space<vmem>>) dst(%dma_wait3A_179 : memref<10240x64xf32, #tpu.memory_space<vmem_shared>>)
        %add3A_180 = arith.constant 1 : i32
        %add3A_181 = arith.addi %add3A_74, %add3A_180 : i32
        %add3A_182 = arith.constant 4 : i32
        %add3A_183 = arith.addi %add3A_181, %add3A_182 : i32
        %dma_start3A_184 = arith.constant 0 : i32
        %dma_start3A_185 = tpu.memref_slice %arg6[%add3A_183, %dma_start3A_184] : memref<160x125xi32, #tpu.memory_space<vmem>> -> memref<1x125xi32, #tpu.memory_space<vmem>>
        %dma_start3A_186 = tpu.memref_squeeze %dma_start3A_185 : memref<1x125xi32, #tpu.memory_space<vmem>> -> memref<125xi32, #tpu.memory_space<vmem>>
        %dma_start3A_187 = arith.constant 0 : i32
        %dma_start3A_188 = arith.constant 0 : i32
        %dma_start3A_189 = tpu.memref_slice %arg2[%dma_start3A_187, %dma_start3A_188] : memref<20480x64xf32, #tpu.memory_space<hbm>> -> memref<20480x64xf32, #tpu.memory_space<hbm>>
        tpu.enqueue_indirect_dma source(%dma_start3A_189 : memref<20480x64xf32, #tpu.memory_space<hbm>>) target(%arg9 : memref<125x64xf32, #tpu.memory_space<vmem>>) offsets(%dma_start3A_186 : memref<125xi32, #tpu.memory_space<vmem>>) semaphore(%arg14 : memref<!tpu.dma_semaphore, #tpu.memory_space<semaphore_mem>>)
      } else {
      }
      %add3A_154 = arith.constant 2 : i32
      %add3A_155 = arith.addi %add3A_74, %add3A_154 : i32
      %add3A_156 = arith.constant 4 : i32
      %add3A_157 = arith.addi %add3A_155, %add3A_156 : i32
      %lt3A_158 = arith.constant 160 : i32
      %lt3A_159 = arith.cmpi slt, %add3A_157, %lt3A_158 : i32
      %convert_element_type3A_160 = arith.extui %lt3A_159 : i1 to i32
      %cond3A_161 = arith.constant 0 : i32
      %cond3A_162 = arith.cmpi ne, %convert_element_type3A_160, %cond3A_161 : i32
      scf.if %cond3A_162 {
        %add3A_172 = arith.constant 2 : i32
        %add3A_173 = arith.addi %add3A_74, %add3A_172 : i32
        %dma_wait3A_174 = arith.constant 0 : i32
        %dma_wait3A_175 = tpu.memref_slice %arg7[%add3A_173, %dma_wait3A_174] : memref<160x125xi32, #tpu.memory_space<vmem>> -> memref<1x125xi32, #tpu.memory_space<vmem>>
        %dma_wait3A_176 = tpu.memref_squeeze %dma_wait3A_175 : memref<1x125xi32, #tpu.memory_space<vmem>> -> memref<125xi32, #tpu.memory_space<vmem>>
        %dma_wait3A_177 = arith.constant 0 : i32
        %dma_wait3A_178 = arith.constant 0 : i32
        %dma_wait3A_179 = tpu.memref_slice %arg12[%dma_wait3A_177, %dma_wait3A_178] : memref<10240x64xf32, #tpu.memory_space<vmem_shared>> -> memref<10240x64xf32, #tpu.memory_space<vmem_shared>>
        tpu.wait_indirect_dma semaphore(%arg19 : memref<!tpu.dma_semaphore, #tpu.memory_space<semaphore_mem>>) src(%arg10 : memref<125x64xf32, #tpu.memory_space<vmem>>) dst(%dma_wait3A_179 : memref<10240x64xf32, #tpu.memory_space<vmem_shared>>)
        %add3A_180 = arith.constant 2 : i32
        %add3A_181 = arith.addi %add3A_74, %add3A_180 : i32
        %add3A_182 = arith.constant 4 : i32
        %add3A_183 = arith.addi %add3A_181, %add3A_182 : i32
        %dma_start3A_184 = arith.constant 0 : i32
        %dma_start3A_185 = tpu.memref_slice %arg6[%add3A_183, %dma_start3A_184] : memref<160x125xi32, #tpu.memory_space<vmem>> -> memref<1x125xi32, #tpu.memory_space<vmem>>
        %dma_start3A_186 = tpu.memref_squeeze %dma_start3A_185 : memref<1x125xi32, #tpu.memory_space<vmem>> -> memref<125xi32, #tpu.memory_space<vmem>>
        %dma_start3A_187 = arith.constant 0 : i32
        %dma_start3A_188 = arith.constant 0 : i32
        %dma_start3A_189 = tpu.memref_slice %arg2[%dma_start3A_187, %dma_start3A_188] : memref<20480x64xf32, #tpu.memory_space<hbm>> -> memref<20480x64xf32, #tpu.memory_space<hbm>>
        tpu.enqueue_indirect_dma source(%dma_start3A_189 : memref<20480x64xf32, #tpu.memory_space<hbm>>) target(%arg10 : memref<125x64xf32, #tpu.memory_space<vmem>>) offsets(%dma_start3A_186 : memref<125xi32, #tpu.memory_space<vmem>>) semaphore(%arg15 : memref<!tpu.dma_semaphore, #tpu.memory_space<semaphore_mem>>)
      } else {
      }
      %add3A_163 = arith.constant 3 : i32
      %add3A_164 = arith.addi %add3A_74, %add3A_163 : i32
      %add3A_165 = arith.constant 4 : i32
      %add3A_166 = arith.addi %add3A_164, %add3A_165 : i32
      %lt3A_167 = arith.constant 160 : i32
      %lt3A_168 = arith.cmpi slt, %add3A_166, %lt3A_167 : i32
      %convert_element_type3A_169 = arith.extui %lt3A_168 : i1 to i32
      %cond3A_170 = arith.constant 0 : i32
      %cond3A_171 = arith.cmpi ne, %convert_element_type3A_169, %cond3A_170 : i32
      scf.if %cond3A_171 {
        %add3A_172 = arith.constant 3 : i32
        %add3A_173 = arith.addi %add3A_74, %add3A_172 : i32
        %dma_wait3A_174 = arith.constant 0 : i32
        %dma_wait3A_175 = tpu.memref_slice %arg7[%add3A_173, %dma_wait3A_174] : memref<160x125xi32, #tpu.memory_space<vmem>> -> memref<1x125xi32, #tpu.memory_space<vmem>>
        %dma_wait3A_176 = tpu.memref_squeeze %dma_wait3A_175 : memref<1x125xi32, #tpu.memory_space<vmem>> -> memref<125xi32, #tpu.memory_space<vmem>>
        %dma_wait3A_177 = arith.constant 0 : i32
        %dma_wait3A_178 = arith.constant 0 : i32
        %dma_wait3A_179 = tpu.memref_slice %arg12[%dma_wait3A_177, %dma_wait3A_178] : memref<10240x64xf32, #tpu.memory_space<vmem_shared>> -> memref<10240x64xf32, #tpu.memory_space<vmem_shared>>
        tpu.wait_indirect_dma semaphore(%arg20 : memref<!tpu.dma_semaphore, #tpu.memory_space<semaphore_mem>>) src(%arg11 : memref<125x64xf32, #tpu.memory_space<vmem>>) dst(%dma_wait3A_179 : memref<10240x64xf32, #tpu.memory_space<vmem_shared>>)
        %add3A_180 = arith.constant 3 : i32
        %add3A_181 = arith.addi %add3A_74, %add3A_180 : i32
        %add3A_182 = arith.constant 4 : i32
        %add3A_183 = arith.addi %add3A_181, %add3A_182 : i32
        %dma_start3A_184 = arith.constant 0 : i32
        %dma_start3A_185 = tpu.memref_slice %arg6[%add3A_183, %dma_start3A_184] : memref<160x125xi32, #tpu.memory_space<vmem>> -> memref<1x125xi32, #tpu.memory_space<vmem>>
        %dma_start3A_186 = tpu.memref_squeeze %dma_start3A_185 : memref<1x125xi32, #tpu.memory_space<vmem>> -> memref<125xi32, #tpu.memory_space<vmem>>
        %dma_start3A_187 = arith.constant 0 : i32
        %dma_start3A_188 = arith.constant 0 : i32
        %dma_start3A_189 = tpu.memref_slice %arg2[%dma_start3A_187, %dma_start3A_188] : memref<20480x64xf32, #tpu.memory_space<hbm>> -> memref<20480x64xf32, #tpu.memory_space<hbm>>
        tpu.enqueue_indirect_dma source(%dma_start3A_189 : memref<20480x64xf32, #tpu.memory_space<hbm>>) target(%arg11 : memref<125x64xf32, #tpu.memory_space<vmem>>) offsets(%dma_start3A_186 : memref<125xi32, #tpu.memory_space<vmem>>) semaphore(%arg16 : memref<!tpu.dma_semaphore, #tpu.memory_space<semaphore_mem>>)
      } else {
      }
    }
    %scan3A_37 = arith.constant 40 : i32
    %dma_wait3A = arith.constant 156 : i32
    %dma_wait3A_38 = arith.constant 0 : i32
    %dma_wait3A_39 = tpu.memref_slice %arg7[%dma_wait3A, %dma_wait3A_38] : memref<160x125xi32, #tpu.memory_space<vmem>> -> memref<1x125xi32, #tpu.memory_space<vmem>>
    %dma_wait3A_40 = tpu.memref_squeeze %dma_wait3A_39 : memref<1x125xi32, #tpu.memory_space<vmem>> -> memref<125xi32, #tpu.memory_space<vmem>>
    %dma_wait3A_41 = arith.constant 0 : i32
    %dma_wait3A_42 = arith.constant 0 : i32
    %dma_wait3A_43 = tpu.memref_slice %arg12[%dma_wait3A_41, %dma_wait3A_42] : memref<10240x64xf32, #tpu.memory_space<vmem_shared>> -> memref<10240x64xf32, #tpu.memory_space<vmem_shared>>
    tpu.wait_indirect_dma semaphore(%arg17 : memref<!tpu.dma_semaphore, #tpu.memory_space<semaphore_mem>>) src(%arg8 : memref<125x64xf32, #tpu.memory_space<vmem>>) dst(%dma_wait3A_43 : memref<10240x64xf32, #tpu.memory_space<vmem_shared>>)
    %dma_wait3A_44 = arith.constant 157 : i32
    %dma_wait3A_45 = arith.constant 0 : i32
    %dma_wait3A_46 = tpu.memref_slice %arg7[%dma_wait3A_44, %dma_wait3A_45] : memref<160x125xi32, #tpu.memory_space<vmem>> -> memref<1x125xi32, #tpu.memory_space<vmem>>
    %dma_wait3A_47 = tpu.memref_squeeze %dma_wait3A_46 : memref<1x125xi32, #tpu.memory_space<vmem>> -> memref<125xi32, #tpu.memory_space<vmem>>
    %dma_wait3A_48 = arith.constant 0 : i32
    %dma_wait3A_49 = arith.constant 0 : i32
    %dma_wait3A_50 = tpu.memref_slice %arg12[%dma_wait3A_48, %dma_wait3A_49] : memref<10240x64xf32, #tpu.memory_space<vmem_shared>> -> memref<10240x64xf32, #tpu.memory_space<vmem_shared>>
    tpu.wait_indirect_dma semaphore(%arg18 : memref<!tpu.dma_semaphore, #tpu.memory_space<semaphore_mem>>) src(%arg9 : memref<125x64xf32, #tpu.memory_space<vmem>>) dst(%dma_wait3A_50 : memref<10240x64xf32, #tpu.memory_space<vmem_shared>>)
    %dma_wait3A_51 = arith.constant 158 : i32
    %dma_wait3A_52 = arith.constant 0 : i32
    %dma_wait3A_53 = tpu.memref_slice %arg7[%dma_wait3A_51, %dma_wait3A_52] : memref<160x125xi32, #tpu.memory_space<vmem>> -> memref<1x125xi32, #tpu.memory_space<vmem>>
    %dma_wait3A_54 = tpu.memref_squeeze %dma_wait3A_53 : memref<1x125xi32, #tpu.memory_space<vmem>> -> memref<125xi32, #tpu.memory_space<vmem>>
    %dma_wait3A_55 = arith.constant 0 : i32
    %dma_wait3A_56 = arith.constant 0 : i32
    %dma_wait3A_57 = tpu.memref_slice %arg12[%dma_wait3A_55, %dma_wait3A_56] : memref<10240x64xf32, #tpu.memory_space<vmem_shared>> -> memref<10240x64xf32, #tpu.memory_space<vmem_shared>>
    tpu.wait_indirect_dma semaphore(%arg19 : memref<!tpu.dma_semaphore, #tpu.memory_space<semaphore_mem>>) src(%arg10 : memref<125x64xf32, #tpu.memory_space<vmem>>) dst(%dma_wait3A_57 : memref<10240x64xf32, #tpu.memory_space<vmem_shared>>)
    %dma_wait3A_58 = arith.constant 159 : i32
    %dma_wait3A_59 = arith.constant 0 : i32
    %dma_wait3A_60 = tpu.memref_slice %arg7[%dma_wait3A_58, %dma_wait3A_59] : memref<160x125xi32, #tpu.memory_space<vmem>> -> memref<1x125xi32, #tpu.memory_space<vmem>>
    %dma_wait3A_61 = tpu.memref_squeeze %dma_wait3A_60 : memref<1x125xi32, #tpu.memory_space<vmem>> -> memref<125xi32, #tpu.memory_space<vmem>>
    %dma_wait3A_62 = arith.constant 0 : i32
    %dma_wait3A_63 = arith.constant 0 : i32
    %dma_wait3A_64 = tpu.memref_slice %arg12[%dma_wait3A_62, %dma_wait3A_63] : memref<10240x64xf32, #tpu.memory_space<vmem_shared>> -> memref<10240x64xf32, #tpu.memory_space<vmem_shared>>
    tpu.wait_indirect_dma semaphore(%arg20 : memref<!tpu.dma_semaphore, #tpu.memory_space<semaphore_mem>>) src(%arg11 : memref<125x64xf32, #tpu.memory_space<vmem>>) dst(%dma_wait3A_64 : memref<10240x64xf32, #tpu.memory_space<vmem_shared>>)
    %barrier3A_65 = arith.constant 0 : index
    tpu.barrier barrier_id(%barrier3A_65)
    %mul3A_66 = arith.constant 640 : i32
    %mul3A_67 = arith.muli %arg1, %mul3A_66 : i32
    %mul3A_68 = arith.constant 640 : i32
    %mul3A_69 = arith.muli %arg1, %mul3A_68 : i32
    "tpu.region"() ({
      %run_scoped3A = tpu.sem_alloc : memref<!tpu.dma_semaphore, #tpu.memory_space<semaphore_mem>>
      %dma_start3A_70 = arith.constant 0 : i32
      %dma_start3A_71 = tpu.memref_slice %arg5[%arg0, %mul3A_69, %dma_start3A_70] : memref<2x10240x64xf32, #tpu.memory_space<hbm>> -> memref<1x640x64xf32, #tpu.memory_space<hbm>>
      %dma_start3A_72 = tpu.memref_squeeze %dma_start3A_71 : memref<1x640x64xf32, #tpu.memory_space<hbm>> -> memref<640x64xf32, #tpu.memory_space<hbm>>
      %dma_start3A_73 = arith.constant 0 : i32
      %dma_start3A_74 = tpu.memref_slice %arg12[%mul3A_67, %dma_start3A_73] : memref<10240x64xf32, #tpu.memory_space<vmem_shared>> -> memref<640x64xf32, #tpu.memory_space<vmem_shared>>
      tpu.enqueue_dma source(%dma_start3A_74 : memref<640x64xf32, #tpu.memory_space<vmem_shared>>) target(%dma_start3A_72 : memref<640x64xf32, #tpu.memory_space<hbm>>) target_semaphore(%run_scoped3A : memref<!tpu.dma_semaphore, #tpu.memory_space<semaphore_mem>>)
      %dma_wait3A_75 = arith.constant 0 : i32
      %dma_wait3A_76 = tpu.memref_slice %arg5[%arg0, %mul3A_69, %dma_wait3A_75] : memref<2x10240x64xf32, #tpu.memory_space<hbm>> -> memref<1x640x64xf32, #tpu.memory_space<hbm>>
      %dma_wait3A_77 = tpu.memref_squeeze %dma_wait3A_76 : memref<1x640x64xf32, #tpu.memory_space<hbm>> -> memref<640x64xf32, #tpu.memory_space<hbm>>
      %dma_wait3A_78 = arith.constant 0 : i32
      %dma_wait3A_79 = tpu.memref_slice %arg12[%mul3A_67, %dma_wait3A_78] : memref<10240x64xf32, #tpu.memory_space<vmem_shared>> -> memref<640x64xf32, #tpu.memory_space<vmem_shared>>
      tpu.wait_dma2 semaphore(%run_scoped3A : memref<!tpu.dma_semaphore, #tpu.memory_space<semaphore_mem>>) src(%dma_wait3A_79 : memref<640x64xf32, #tpu.memory_space<vmem_shared>>) dst(%dma_wait3A_77 : memref<640x64xf32, #tpu.memory_space<hbm>>)
      tpu.yield
    }) : () -> ()
    return
  }
}

#map = affine_map<(d0, d1) -> (0, 0, 0, 0)>
#map1 = affine_map<(d0, d1) -> (0, 0)>
#map2 = affine_map<(d0, d1) -> (0, 0, 0)>
module attributes {stable_mosaic.version = 14 : i64} {
  func.func @_sc_hist(%arg0: i32, %arg1: i32, %arg2: memref<2x16x80x125xi32, #tpu.memory_space<hbm>>, %arg3: memref<125x16xf32, #tpu.memory_space<hbm>>, %arg4: memref<10240x16xf32, #tpu.memory_space<hbm>>, %arg5: memref<2x10240x16xf32, #tpu.memory_space<hbm>>, %arg6: memref<80x125xi32, #tpu.memory_space<vmem>>, %arg7: memref<125x16xf32, #tpu.memory_space<vmem>>, %arg8: memref<10240x16xf32, #tpu.memory_space<vmem_shared>>) attributes {dimension_semantics = [#tpu.dimension_semantics<core_parallel>, #tpu.dimension_semantics<subcore_parallel>], iteration_bounds = array<i64: 2, 16>, scalar_prefetch = 0 : i64, scratch_operands = 3 : i64, tpu.core_type = #tpu.core_type<sc_vector_subcore>, window_params = [{transform_indices = #map}, {transform_indices = #map1}, {transform_indices = #map1}, {transform_indices = #map2}]} {
    %mul3A = arith.constant 640 : i32
    %mul3A_0 = arith.muli %arg1, %mul3A : i32
    %mul3A_1 = arith.constant 640 : i32
    %mul3A_2 = arith.muli %arg1, %mul3A_1 : i32
    "tpu.region"() ({
      %run_scoped3A = tpu.sem_alloc : memref<!tpu.dma_semaphore, #tpu.memory_space<semaphore_mem>>
      %dma_start3A = arith.constant 0 : i32
      %dma_start3A_12 = tpu.memref_slice %arg8[%mul3A_2, %dma_start3A] : memref<10240x16xf32, #tpu.memory_space<vmem_shared>> -> memref<640x16xf32, #tpu.memory_space<vmem_shared>>
      %dma_start3A_13 = arith.constant 0 : i32
      %dma_start3A_14 = tpu.memref_slice %arg4[%mul3A_0, %dma_start3A_13] : memref<10240x16xf32, #tpu.memory_space<hbm>> -> memref<640x16xf32, #tpu.memory_space<hbm>>
      tpu.enqueue_dma source(%dma_start3A_14 : memref<640x16xf32, #tpu.memory_space<hbm>>) target(%dma_start3A_12 : memref<640x16xf32, #tpu.memory_space<vmem_shared>>) target_semaphore(%run_scoped3A : memref<!tpu.dma_semaphore, #tpu.memory_space<semaphore_mem>>)
      %dma_wait3A = arith.constant 0 : i32
      %dma_wait3A_15 = tpu.memref_slice %arg8[%mul3A_2, %dma_wait3A] : memref<10240x16xf32, #tpu.memory_space<vmem_shared>> -> memref<640x16xf32, #tpu.memory_space<vmem_shared>>
      %dma_wait3A_16 = arith.constant 0 : i32
      %dma_wait3A_17 = tpu.memref_slice %arg4[%mul3A_0, %dma_wait3A_16] : memref<10240x16xf32, #tpu.memory_space<hbm>> -> memref<640x16xf32, #tpu.memory_space<hbm>>
      tpu.wait_dma2 semaphore(%run_scoped3A : memref<!tpu.dma_semaphore, #tpu.memory_space<semaphore_mem>>) src(%dma_wait3A_17 : memref<640x16xf32, #tpu.memory_space<hbm>>) dst(%dma_wait3A_15 : memref<640x16xf32, #tpu.memory_space<vmem_shared>>)
      tpu.yield
    }) : () -> ()
    "tpu.region"() ({
      %run_scoped3A = tpu.sem_alloc : memref<!tpu.dma_semaphore, #tpu.memory_space<semaphore_mem>>
      %dma_start3A = arith.constant 0 : i32
      %dma_start3A_12 = arith.constant 0 : i32
      %dma_start3A_13 = tpu.memref_slice %arg2[%arg0, %arg1, %dma_start3A, %dma_start3A_12] : memref<2x16x80x125xi32, #tpu.memory_space<hbm>> -> memref<1x1x80x125xi32, #tpu.memory_space<hbm>>
      %dma_start3A_14 = tpu.memref_squeeze %dma_start3A_13 : memref<1x1x80x125xi32, #tpu.memory_space<hbm>> -> memref<80x125xi32, #tpu.memory_space<hbm>>
      %dma_start3A_15 = arith.constant 0 : i32
      %dma_start3A_16 = arith.constant 0 : i32
      %dma_start3A_17 = tpu.memref_slice %arg2[%arg0, %arg1, %dma_start3A_15, %dma_start3A_16] : memref<2x16x80x125xi32, #tpu.memory_space<hbm>> -> memref<1x1x80x125xi32, #tpu.memory_space<hbm>>
      %dma_start3A_18 = tpu.memref_squeeze %dma_start3A_17 : memref<1x1x80x125xi32, #tpu.memory_space<hbm>> -> memref<80x125xi32, #tpu.memory_space<hbm>>
      tpu.enqueue_dma source(%dma_start3A_18 : memref<80x125xi32, #tpu.memory_space<hbm>>) target(%arg6 : memref<80x125xi32, #tpu.memory_space<vmem>>) target_semaphore(%run_scoped3A : memref<!tpu.dma_semaphore, #tpu.memory_space<semaphore_mem>>)
      %dma_wait3A = arith.constant 0 : i32
      %dma_wait3A_19 = arith.constant 0 : i32
      %dma_wait3A_20 = tpu.memref_slice %arg2[%arg0, %arg1, %dma_wait3A, %dma_wait3A_19] : memref<2x16x80x125xi32, #tpu.memory_space<hbm>> -> memref<1x1x80x125xi32, #tpu.memory_space<hbm>>
      %dma_wait3A_21 = tpu.memref_squeeze %dma_wait3A_20 : memref<1x1x80x125xi32, #tpu.memory_space<hbm>> -> memref<80x125xi32, #tpu.memory_space<hbm>>
      %dma_wait3A_22 = arith.constant 0 : i32
      %dma_wait3A_23 = arith.constant 0 : i32
      %dma_wait3A_24 = tpu.memref_slice %arg2[%arg0, %arg1, %dma_wait3A_22, %dma_wait3A_23] : memref<2x16x80x125xi32, #tpu.memory_space<hbm>> -> memref<1x1x80x125xi32, #tpu.memory_space<hbm>>
      %dma_wait3A_25 = tpu.memref_squeeze %dma_wait3A_24 : memref<1x1x80x125xi32, #tpu.memory_space<hbm>> -> memref<80x125xi32, #tpu.memory_space<hbm>>
      tpu.wait_dma2 semaphore(%run_scoped3A : memref<!tpu.dma_semaphore, #tpu.memory_space<semaphore_mem>>) src(%dma_wait3A_25 : memref<80x125xi32, #tpu.memory_space<hbm>>) dst(%arg6 : memref<80x125xi32, #tpu.memory_space<vmem>>)
      tpu.yield
    }) : () -> ()
    "tpu.region"() ({
      %run_scoped3A = tpu.sem_alloc : memref<!tpu.dma_semaphore, #tpu.memory_space<semaphore_mem>>
      tpu.enqueue_dma source(%arg3 : memref<125x16xf32, #tpu.memory_space<hbm>>) target(%arg7 : memref<125x16xf32, #tpu.memory_space<vmem>>) target_semaphore(%run_scoped3A : memref<!tpu.dma_semaphore, #tpu.memory_space<semaphore_mem>>)
      tpu.wait_dma2 semaphore(%run_scoped3A : memref<!tpu.dma_semaphore, #tpu.memory_space<semaphore_mem>>) src(%arg3 : memref<125x16xf32, #tpu.memory_space<hbm>>) dst(%arg7 : memref<125x16xf32, #tpu.memory_space<vmem>>)
      tpu.yield
    }) : () -> ()
    %barrier3A = arith.constant 0 : index
    tpu.barrier barrier_id(%barrier3A)
    %scan3A = arith.constant 0 : i32
    %scan3A_3 = arith.constant 80 : i32
    %scan3A_4 = arith.addi %scan3A, %scan3A_3 : i32
    %scan3A_5 = arith.constant 1 : i32
    scf.for %scan3A_12 = %scan3A to %scan3A_4 step %scan3A_5  : i32 {
      %mul3A_13 = arith.constant 1 : i32
      %mul3A_14 = arith.muli %scan3A_12, %mul3A_13 : i32
      %add3A = arith.constant 0 : i32
      %add3A_15 = arith.addi %add3A, %mul3A_14 : i32
      "tpu.region"() ({
        %run_scoped3A = tpu.sem_alloc : memref<!tpu.dma_semaphore, #tpu.memory_space<semaphore_mem>>
        %dma_start3A = arith.constant 0 : i32
        %dma_start3A_16 = tpu.memref_slice %arg6[%add3A_15, %dma_start3A] : memref<80x125xi32, #tpu.memory_space<vmem>> -> memref<1x125xi32, #tpu.memory_space<vmem>>
        %dma_start3A_17 = tpu.memref_squeeze %dma_start3A_16 : memref<1x125xi32, #tpu.memory_space<vmem>> -> memref<125xi32, #tpu.memory_space<vmem>>
        %dma_start3A_18 = arith.constant 0 : i32
        %dma_start3A_19 = arith.constant 0 : i32
        %dma_start3A_20 = tpu.memref_slice %arg8[%dma_start3A_18, %dma_start3A_19] : memref<10240x16xf32, #tpu.memory_space<vmem_shared>> -> memref<10240x16xf32, #tpu.memory_space<vmem_shared>>
        tpu.enqueue_indirect_dma source(%arg7 : memref<125x16xf32, #tpu.memory_space<vmem>>) target(%dma_start3A_20 : memref<10240x16xf32, #tpu.memory_space<vmem_shared>>) offsets(%dma_start3A_17 : memref<125xi32, #tpu.memory_space<vmem>>) semaphore(%run_scoped3A : memref<!tpu.dma_semaphore, #tpu.memory_space<semaphore_mem>>) {add = true}
        %dma_wait3A = arith.constant 0 : i32
        %dma_wait3A_21 = tpu.memref_slice %arg6[%add3A_15, %dma_wait3A] : memref<80x125xi32, #tpu.memory_space<vmem>> -> memref<1x125xi32, #tpu.memory_space<vmem>>
        %dma_wait3A_22 = tpu.memref_squeeze %dma_wait3A_21 : memref<1x125xi32, #tpu.memory_space<vmem>> -> memref<125xi32, #tpu.memory_space<vmem>>
        %dma_wait3A_23 = arith.constant 0 : i32
        %dma_wait3A_24 = arith.constant 0 : i32
        %dma_wait3A_25 = tpu.memref_slice %arg8[%dma_wait3A_23, %dma_wait3A_24] : memref<10240x16xf32, #tpu.memory_space<vmem_shared>> -> memref<10240x16xf32, #tpu.memory_space<vmem_shared>>
        tpu.wait_indirect_dma semaphore(%run_scoped3A : memref<!tpu.dma_semaphore, #tpu.memory_space<semaphore_mem>>) src(%arg7 : memref<125x16xf32, #tpu.memory_space<vmem>>) dst(%dma_wait3A_25 : memref<10240x16xf32, #tpu.memory_space<vmem_shared>>)
        tpu.yield
      }) : () -> ()
    }
    %scan3A_6 = arith.constant 80 : i32
    %barrier3A_7 = arith.constant 0 : index
    tpu.barrier barrier_id(%barrier3A_7)
    %mul3A_8 = arith.constant 640 : i32
    %mul3A_9 = arith.muli %arg1, %mul3A_8 : i32
    %mul3A_10 = arith.constant 640 : i32
    %mul3A_11 = arith.muli %arg1, %mul3A_10 : i32
    "tpu.region"() ({
      %run_scoped3A = tpu.sem_alloc : memref<!tpu.dma_semaphore, #tpu.memory_space<semaphore_mem>>
      %dma_start3A = arith.constant 0 : i32
      %dma_start3A_12 = tpu.memref_slice %arg5[%arg0, %mul3A_11, %dma_start3A] : memref<2x10240x16xf32, #tpu.memory_space<hbm>> -> memref<1x640x16xf32, #tpu.memory_space<hbm>>
      %dma_start3A_13 = tpu.memref_squeeze %dma_start3A_12 : memref<1x640x16xf32, #tpu.memory_space<hbm>> -> memref<640x16xf32, #tpu.memory_space<hbm>>
      %dma_start3A_14 = arith.constant 0 : i32
      %dma_start3A_15 = tpu.memref_slice %arg8[%mul3A_9, %dma_start3A_14] : memref<10240x16xf32, #tpu.memory_space<vmem_shared>> -> memref<640x16xf32, #tpu.memory_space<vmem_shared>>
      tpu.enqueue_dma source(%dma_start3A_15 : memref<640x16xf32, #tpu.memory_space<vmem_shared>>) target(%dma_start3A_13 : memref<640x16xf32, #tpu.memory_space<hbm>>) target_semaphore(%run_scoped3A : memref<!tpu.dma_semaphore, #tpu.memory_space<semaphore_mem>>)
      %dma_wait3A = arith.constant 0 : i32
      %dma_wait3A_16 = tpu.memref_slice %arg5[%arg0, %mul3A_11, %dma_wait3A] : memref<2x10240x16xf32, #tpu.memory_space<hbm>> -> memref<1x640x16xf32, #tpu.memory_space<hbm>>
      %dma_wait3A_17 = tpu.memref_squeeze %dma_wait3A_16 : memref<1x640x16xf32, #tpu.memory_space<hbm>> -> memref<640x16xf32, #tpu.memory_space<hbm>>
      %dma_wait3A_18 = arith.constant 0 : i32
      %dma_wait3A_19 = tpu.memref_slice %arg8[%mul3A_9, %dma_wait3A_18] : memref<10240x16xf32, #tpu.memory_space<vmem_shared>> -> memref<640x16xf32, #tpu.memory_space<vmem_shared>>
      tpu.wait_dma2 semaphore(%run_scoped3A : memref<!tpu.dma_semaphore, #tpu.memory_space<semaphore_mem>>) src(%dma_wait3A_19 : memref<640x16xf32, #tpu.memory_space<vmem_shared>>) dst(%dma_wait3A_17 : memref<640x16xf32, #tpu.memory_space<hbm>>)
      tpu.yield
    }) : () -> ()
    return
  }
}

module attributes {stable_mosaic.version = 14 : i64} {
  func.func @_tc_prep_body(%arg0: memref<10000x128xf32, #tpu.memory_space<vmem>>, %arg1: memref<128x128xf32, #tpu.memory_space<vmem>>, %arg2: memref<2x1280x128xf32, #tpu.memory_space<vmem>>, %arg3: memref<10240x128xf32, #tpu.memory_space<vmem>>, %arg4: memref<10240x128xf32, #tpu.memory_space<vmem>>) attributes {dimension_semantics = [], scalar_prefetch = 0 : i64, scratch_operands = 0 : i64, tpu.core_type = #tpu.core_type<tc>} {
    %get3A = arith.constant 0 : index
    %get3A_0 = arith.constant 0 : index
    %get3A_1 = vector.load %arg0[%get3A, %get3A_0] : memref<10000x128xf32, #tpu.memory_space<vmem>>, vector<10000x128xf32>
    %get3A_2 = arith.constant 0 : index
    %get3A_3 = arith.constant 0 : index
    %get3A_4 = vector.load %arg1[%get3A_2, %get3A_3] : memref<128x128xf32, #tpu.memory_space<vmem>>, vector<128x128xf32>
    %dot_general3A = arith.constant dense<0.000000e+00> : vector<10000x128xf32>
    %dot_general3A_5 = tpu.matmul %get3A_1, %get3A_4, %dot_general3A {dimension_numbers = #tpu.dot_dimension_numbers<[1], [0], [0], [1], [0, 0, 1, 1], [], []>, transpose_lhs_hint = false} : vector<10000x128xf32>, vector<128x128xf32>, vector<10000x128xf32> -> vector<10000x128xf32>
    %get3A_6 = arith.constant 0 : index
    %get3A_7 = arith.constant 0 : index
    %get3A_8 = arith.constant 0 : index
    %get3A_9 = vector.load %arg2[%get3A_6, %get3A_7, %get3A_8] : memref<2x1280x128xf32, #tpu.memory_space<vmem>>, vector<2x1280x128xf32>
    %reshape3A = vector.shape_cast %get3A_9 : vector<2x1280x128xf32> to vector<2x1280x8x16xf32>
    %slice3A = vector.extract_strided_slice %reshape3A {offsets = [0, 0, 0, 0], sizes = [2, 1280, 8, 1], strides = [1, 1, 1, 1]} : vector<2x1280x8x16xf32> to vector<2x1280x8x1xf32>
    %squeeze3A = vector.shape_cast %slice3A : vector<2x1280x8x1xf32> to vector<2x1280x8xf32>
    %slice3A_10 = vector.extract_strided_slice %squeeze3A {offsets = [0, 0, 0], sizes = [1, 1280, 8], strides = [1, 1, 1]} : vector<2x1280x8xf32> to vector<1x1280x8xf32>
    %squeeze3A_11 = vector.shape_cast %slice3A_10 : vector<1x1280x8xf32> to vector<1280x8xf32>
    %slice3A_12 = vector.extract_strided_slice %squeeze3A {offsets = [1, 0, 0], sizes = [1, 1280, 8], strides = [1, 1, 1]} : vector<2x1280x8xf32> to vector<1x1280x8xf32>
    %squeeze3A_13 = vector.shape_cast %slice3A_12 : vector<1x1280x8xf32> to vector<1280x8xf32>
    %add3A = arith.addf %squeeze3A_11, %squeeze3A_13 : vector<1280x8xf32>
    %reshape3A_14 = vector.shape_cast %add3A : vector<1280x8xf32> to vector<10240xf32>
    %slice3A_15 = vector.extract_strided_slice %reshape3A_14 {offsets = [0], sizes = [10000], strides = [1]} : vector<10240xf32> to vector<10000xf32>
    %add3A_16 = arith.constant 1.000000e+00 : f32
    %add3A_17 = vector.broadcast %add3A_16 : f32 to vector<10000xf32>
    %add3A_18 = arith.addf %add3A_17, %slice3A_15 : vector<10000xf32>
    %rsqrt3A = math.rsqrt %add3A_18 : vector<10000xf32>
    %broadcast_in_dim3A = vector.shape_cast %rsqrt3A : vector<10000xf32> to vector<10000x1xf32>
    %mul3A = vector.broadcast %broadcast_in_dim3A : vector<10000x1xf32> to vector<10000x128xf32>
    %mul3A_19 = arith.mulf %dot_general3A_5, %mul3A : vector<10000x128xf32>
    %jit3A = arith.constant 0 : i32
    %convert_element_type3A = arith.sitofp %jit3A : i32 to f32
    %pad3A = vector.broadcast %convert_element_type3A : f32 to vector<240x128xf32>
    %pad3A_20 = tpu.concatenate %mul3A_19, %pad3A in 0 : vector<10000x128xf32>, vector<240x128xf32> -> vector<10240x128xf32>
    %swap3A = arith.constant 0 : index
    %swap3A_21 = arith.constant 0 : index
    %swap3A_22 = vector.load %arg3[%swap3A, %swap3A_21] : memref<10240x128xf32, #tpu.memory_space<vmem>>, vector<10240x128xf32>
    tpu.vector_store %arg3[%swap3A, %swap3A_21], %pad3A_20 {strides = array<i32>} : memref<10240x128xf32, #tpu.memory_space<vmem>>, vector<10240x128xf32>,
    %broadcast_in_dim3A_23 = vector.shape_cast %rsqrt3A : vector<10000xf32> to vector<10000x1xf32>
    %broadcast_in_dim3A_24 = vector.shape_cast %broadcast_in_dim3A_23 : vector<10000x1xf32> to vector<10000x1xf32>
    %broadcast_in_dim3A_25 = vector.broadcast %broadcast_in_dim3A_24 : vector<10000x1xf32> to vector<10000x128xf32>
    %jit3A_26 = arith.constant 0 : i32
    %convert_element_type3A_27 = arith.sitofp %jit3A_26 : i32 to f32
    %pad3A_28 = vector.broadcast %convert_element_type3A_27 : f32 to vector<240x128xf32>
    %pad3A_29 = tpu.concatenate %broadcast_in_dim3A_25, %pad3A_28 in 0 : vector<10000x128xf32>, vector<240x128xf32> -> vector<10240x128xf32>
    %swap3A_30 = arith.constant 0 : index
    %swap3A_31 = arith.constant 0 : index
    %swap3A_32 = vector.load %arg4[%swap3A_30, %swap3A_31] : memref<10240x128xf32, #tpu.memory_space<vmem>>, vector<10240x128xf32>
    tpu.vector_store %arg4[%swap3A_30, %swap3A_31], %pad3A_29 {strides = array<i32>} : memref<10240x128xf32, #tpu.memory_space<vmem>>, vector<10240x128xf32>,
    return
  }
}

module attributes {stable_mosaic.version = 14 : i64} {
  func.func @_tc_final_body(%arg0: i32, %arg1: memref<2x1000x128xf32, #tpu.memory_space<vmem>>, %arg2: memref<2000x128xf32, #tpu.memory_space<vmem>>, %arg3: memref<2000x128xf32, #tpu.memory_space<vmem>>, %arg4: memref<1x128xf32, #tpu.memory_space<vmem>>, %arg5: memref<2000x128xf32, #tpu.memory_space<vmem>>) attributes {dimension_semantics = [#tpu.dimension_semantics<arbitrary>], iteration_bounds = array<i64: 5>, scalar_prefetch = 0 : i64, scratch_operands = 0 : i64, tpu.core_type = #tpu.core_type<tc>, window_params = [{transform_indices = @transform_0, window_bounds = array<i64: 2, 1000, 128>}, {transform_indices = @transform_1, window_bounds = array<i64: 2000, 128>}, {transform_indices = @transform_2, window_bounds = array<i64: 2000, 128>}, {pipeline_mode = #tpu.pipeline_mode<synchronous>, transform_indices = @transform_3, window_bounds = array<i64: 1, 128>}, {transform_indices = @transform_4, window_bounds = array<i64: 2000, 128>}]} {
    %get3A = arith.constant 0 : index
    %get3A_0 = arith.constant 0 : index
    %get3A_1 = arith.constant 0 : index
    %get3A_2 = vector.load %arg1[%get3A, %get3A_0, %get3A_1] : memref<2x1000x128xf32, #tpu.memory_space<vmem>>, vector<2x1000x128xf32>
    %slice3A = vector.extract_strided_slice %get3A_2 {offsets = [0, 0, 0], sizes = [1, 1000, 64], strides = [1, 1, 1]} : vector<2x1000x128xf32> to vector<1x1000x64xf32>
    %squeeze3A = vector.shape_cast %slice3A : vector<1x1000x64xf32> to vector<1000x64xf32>
    %slice3A_3 = vector.extract_strided_slice %get3A_2 {offsets = [0, 0, 64], sizes = [1, 1000, 64], strides = [1, 1, 1]} : vector<2x1000x128xf32> to vector<1x1000x64xf32>
    %squeeze3A_4 = vector.shape_cast %slice3A_3 : vector<1x1000x64xf32> to vector<1000x64xf32>
    %stack3A = vector.shape_cast %squeeze3A : vector<1000x64xf32> to vector<1000x1x64xf32>
    %stack3A_5 = vector.shape_cast %squeeze3A_4 : vector<1000x64xf32> to vector<1000x1x64xf32>
    %stack3A_6 = tpu.concatenate %stack3A, %stack3A_5 in 1 : vector<1000x1x64xf32>, vector<1000x1x64xf32> -> vector<1000x2x64xf32>
    %reshape3A = vector.shape_cast %stack3A_6 : vector<1000x2x64xf32> to vector<2000x64xf32>
    %slice3A_7 = vector.extract_strided_slice %get3A_2 {offsets = [1, 0, 0], sizes = [1, 1000, 64], strides = [1, 1, 1]} : vector<2x1000x128xf32> to vector<1x1000x64xf32>
    %squeeze3A_8 = vector.shape_cast %slice3A_7 : vector<1x1000x64xf32> to vector<1000x64xf32>
    %slice3A_9 = vector.extract_strided_slice %get3A_2 {offsets = [1, 0, 64], sizes = [1, 1000, 64], strides = [1, 1, 1]} : vector<2x1000x128xf32> to vector<1x1000x64xf32>
    %squeeze3A_10 = vector.shape_cast %slice3A_9 : vector<1x1000x64xf32> to vector<1000x64xf32>
    %stack3A_11 = vector.shape_cast %squeeze3A_8 : vector<1000x64xf32> to vector<1000x1x64xf32>
    %stack3A_12 = vector.shape_cast %squeeze3A_10 : vector<1000x64xf32> to vector<1000x1x64xf32>
    %stack3A_13 = tpu.concatenate %stack3A_11, %stack3A_12 in 1 : vector<1000x1x64xf32>, vector<1000x1x64xf32> -> vector<1000x2x64xf32>
    %reshape3A_14 = vector.shape_cast %stack3A_13 : vector<1000x2x64xf32> to vector<2000x64xf32>
    %concatenate3A = tpu.concatenate %reshape3A, %reshape3A_14 in 1 : vector<2000x64xf32>, vector<2000x64xf32> -> vector<2000x128xf32>
    %get3A_15 = arith.constant 0 : index
    %get3A_16 = arith.constant 0 : index
    %get3A_17 = vector.load %arg2[%get3A_15, %get3A_16] : memref<2000x128xf32, #tpu.memory_space<vmem>>, vector<2000x128xf32>
    %add3A = arith.addf %concatenate3A, %get3A_17 : vector<2000x128xf32>
    %get3A_18 = arith.constant 0 : index
    %get3A_19 = arith.constant 0 : index
    %get3A_20 = vector.load %arg3[%get3A_18, %get3A_19] : memref<2000x128xf32, #tpu.memory_space<vmem>>, vector<2000x128xf32>
    %mul3A = arith.mulf %add3A, %get3A_20 : vector<2000x128xf32>
    %get3A_21 = arith.constant 0 : index
    %get3A_22 = arith.constant 0 : index
    %get3A_23 = vector.load %arg4[%get3A_21, %get3A_22] : memref<1x128xf32, #tpu.memory_space<vmem>>, vector<1x128xf32>
    %add3A_24 = vector.broadcast %get3A_23 : vector<1x128xf32> to vector<2000x128xf32>
    %add3A_25 = arith.addf %mul3A, %add3A_24 : vector<2000x128xf32>
    %swap3A = arith.constant 0 : index
    %swap3A_26 = arith.constant 0 : index
    %swap3A_27 = vector.load %arg5[%swap3A, %swap3A_26] : memref<2000x128xf32, #tpu.memory_space<vmem>>, vector<2000x128xf32>
    tpu.vector_store %arg5[%swap3A, %swap3A_26], %add3A_25 {strides = array<i32>} : memref<2000x128xf32, #tpu.memory_space<vmem>>, vector<2000x128xf32>,
    return
  }
  func.func @transform_0(%arg0: i32) -> (i32, i32, i32) {
    %c0_i32 = arith.constant 0 : i32
    %c0_i32_0 = arith.constant 0 : i32
    %c0_i32_1 = arith.constant 0 : i32
    return %c0_i32, %arg0, %c0_i32_0 : i32, i32, i32
  }
  func.func @transform_1(%arg0: i32) -> (i32, i32) {
    %c0_i32 = arith.constant 0 : i32
    %c0_i32_0 = arith.constant 0 : i32
    return %arg0, %c0_i32 : i32, i32
  }
  func.func @transform_2(%arg0: i32) -> (i32, i32) {
    %c0_i32 = arith.constant 0 : i32
    %c0_i32_0 = arith.constant 0 : i32
    return %arg0, %c0_i32 : i32, i32
  }
  func.func @transform_3(%arg0: i32) -> (i32, i32) {
    %c0_i32 = arith.constant 0 : i32
    %c0_i32_0 = arith.constant 0 : i32
    %c0_i32_1 = arith.constant 0 : i32
    return %c0_i32, %c0_i32_0 : i32, i32
  }
  func.func @transform_4(%arg0: i32) -> (i32, i32) {
    %c0_i32 = arith.constant 0 : i32
    %c0_i32_0 = arith.constant 0 : i32
    return %arg0, %c0_i32 : i32, i32
  }
}

</mosaic_0001>

<sc_bundles>
// kernel: kernel.6.cloned.1.call-start
scs
__scs_entry_jumppad:
0x0: {  	(pc) =	sbr.rel $0x88, $3  }
0x1: {  	(tag) =	ssettag $0x0;
	lr =	simm.s32 $0x1  }
0x2: {  	[smem:$0x3F9D] =	sst lr;
	_ =	strace $0xD0000000  }
0x3: {  	_ = 	snop  }
0x4: {  	_ = 	snop  }
0x5: {  	_ = 	snop  }
0x6: {  	_ = 	snop  }
0x7: {  	_ = 	snop  }
__scs_overlays_trampoline_lowered:
0x8: {  	[smem:$0x3FAC] =	sst s0  }
0x9: {  	[smem:$0x3FAD] =	sst s1  }
0xa: {  	[smem:$0x3FAE] =	sst s2  }
0xb: {  	[smem:$0x3FAF] =	sst s3  }
0xc: {  	[smem:$0x3FB0] =	sst s4  }
0xd: {  	[smem:$0x3FB1] =	sst s5  }
0xe: {  	[smem:$0x3FB2] =	sst s6  }
0xf: {  	[smem:$0x3FB3] =	sst s7  }
0x10: {  	[smem:$0x3FB4] =	sst s8  }
0x11: {  	[smem:$0x3FB5] =	sst s9;
	s0 =	simm.s32 @!p0 $0x0  }
0x12: {  	s1 =	sld [smem:$0x3F9B];
	s0 =	simm.s32 @p0 $0x1  }
0x13: {  	[smem:$0x3FB6] =	sst s0;
	s0 =	simm.s32 @!p1 $0x0  }
0x14: {  	s2 =	sld [smem:$0x3F9A];
	s0 =	simm.s32 @p1 $0x1  }
0x15: {  	[smem:$0x3FB7] =	sst s0;
	s0 =	simm.s32 @!p2 $0x0  }
0x16: {  	s3 =	sld [smem:$0x3FDB];
	s0 =	simm.s32 @p2 $0x1  }
0x17: {  	s4 =	simm.s32 $0x1BF5;
	[smem:$0x3FB9] =	sst s0  }
0x18: {  	s0 =	sld [smem:$0x3F9C];
	_ =	swait.ge [sflag:s4], $0x0  }
0x19: {  	s7 =	sld [smem:$0x3F9D]  }
0x1a: {  	s8 =	sadd.s32 $0xFFFFE003, lr  }
0x1b: {  	s9 =	sadd.s32 $0xFFFFFEF7, lr;
	s5 =	simm.s32 $0xFFFFFFFF;
	p2 =	slt.u32 s8, $0xFFFFF086  }
0x1c: {  	p1 =	slt.u32 s9, $0xF7A;
	s5 =	simm.s32 @!p2 $0x0  }
0x1d: {  	s5 =	simm.s32 @p1 $0x1;
	p0 =	seq.s32 s7, s2  }
0x1e: {  	s7 =	smul.u32 @!p0 $0xF7A, s2;
	p2 =	seq.s32 @!p0 s5, $0x0  }
0x1f: {  	s9 =	smul.u32 $0xF7A, s1;
	s8 =	simm.s32 @!p0 $0x1BF5;
	p2 =	por !p2, p0  }
0x20: {  	[sflag:s8] =	ssyncset.s32 @!p0 $0xFFFFF086;
	s6 =	sadd.s32 @!p0 s3, s7;
	s7 =	simm.s32 @!p0 $0x108  }
0x21: {  	s3 =	sadd.s32 s3, s9;
	s6 =	sadd.s32 @!p0 $0x88, s6;
	s7 =	simm.s32 @p2 $0x1082  }
0x22: {  	[simem:s7], [sflag:s8] =	dma.local @!p0 [hbm:s6], $0xF7A  }
0x23: {  	s9 =	sor.u32 $0xD0000000, s2;
	s6 =	simm.s32 $0x108;
	_ =	swait.ge @!p0 [sflag:s8], $0x0  }
0x24: {  	s3 =	sadd.s32 $0x88, s3;
	s6 =	simm.s32 @!p1 $0x1082;
	[sflag:s4] =	ssyncset.s32 $0xFFFFF086  }
0x25: {  	[simem:s6], [sflag:s4] =	dma.local [hbm:s3], $0xF7A  }
0x26: {  	[smem:$0x3F9D] =	sst s1;
	(tag) =	ssettag s2;
	_ =	strace s9  }
0x27: {  	s1 =	sld [smem:$0x3FAD]  }
0x28: {  	s2 =	sld [smem:$0x3FAE]  }
0x29: {  	s4 =	sld [smem:$0x3FB0]  }
0x2a: {  	p0 =	seq.s32 s5, $0x0;
	s5 =	sld [smem:$0x3FB1]  }
0x2b: {  	s6 =	sld [smem:$0x3FB2]  }
0x2c: {  	s7 =	sld [smem:$0x3FB3]  }
0x2d: {  	s3 =	simm.s32 $0x108;
	s8 =	sld [smem:$0x3FB4]  }
0x2e: {  	s3 =	simm.s32 @!p0 $0x1082;
	s9 =	sld [smem:$0x3FB5]  }
0x2f: {  	lr =	sadd.s32 s0, s3;
	s0 =	sld [smem:$0x3FAC]  }
0x30: {  	s3 =	sld [smem:$0x3FAF]  }
0x31: {  	[smem:$0x3FB8] =	sst s10  }
0x32: {  	s10 =	sld [smem:$0x3FB6];
	_ =	sdelay $0x3  }
0x33: {  	p0 =	seq.s32 s10, $0x1;
	s10 =	sld [smem:$0x3FB8];
	_ =	sdelay $0x3  }
0x34: {  	[smem:$0x3FB8] =	sst s10  }
0x35: {  	s10 =	sld [smem:$0x3FB7];
	_ =	sdelay $0x3  }
0x36: {  	p1 =	seq.s32 s10, $0x1;
	s10 =	sld [smem:$0x3FB8];
	_ =	sdelay $0x3  }
0x37: {  	[smem:$0x3FB8] =	sst s10  }
0x38: {  	s10 =	sld [smem:$0x3FB9]  }
0x39: {  	_ = 	snop;
	(pc) =	sbr.ind lr, $3  }
0x3a: {  	_ = 	snop  }
0x3b: {  	_ = 	snop  }
0x3c: {  	p2 =	seq.s32 s10, $0x1;
	s10 =	sld [smem:$0x3FB8]  }
0x3d: {  	_ =	shalt  }
0x3e: {  	_ =	shalt  }
0x3f: {  	_ =	shalt  }
0x40: {  	_ =	shalt  }
0x41: {  	_ =	shalt  }
0x42: {  	_ =	shalt  }
0x43: {  	_ =	shalt  }
0x44: {  	_ =	shalt  }
0x45: {  	_ =	shalt  }
0x46: {  	_ =	shalt  }
0x47: {  	_ =	shalt  }
0x48: {  	_ =	shalt  }
0x49: {  	_ =	shalt  }
0x4a: {  	_ =	shalt  }
0x4b: {  	_ =	shalt  }
0x4c: {  	_ =	shalt  }
0x4d: {  	_ =	shalt  }
0x4e: {  	_ =	shalt  }
0x4f: {  	_ =	shalt  }
0x50: {  	_ =	shalt  }
0x51: {  	_ =	shalt  }
0x52: {  	_ =	shalt  }
0x53: {  	_ =	shalt  }
0x54: {  	_ =	shalt  }
0x55: {  	_ =	shalt  }
0x56: {  	_ =	shalt  }
0x57: {  	_ =	shalt  }
0x58: {  	_ =	shalt  }
0x59: {  	_ =	shalt  }
0x5a: {  	_ =	shalt  }
0x5b: {  	_ =	shalt  }
0x5c: {  	_ =	shalt  }
0x5d: {  	_ =	shalt  }
0x5e: {  	_ =	shalt  }
0x5f: {  	_ =	shalt  }
0x60: {  	_ =	shalt  }
0x61: {  	_ =	shalt  }
0x62: {  	_ =	shalt  }
0x63: {  	_ =	shalt  }
0x64: {  	_ =	shalt  }
0x65: {  	_ =	shalt  }
0x66: {  	_ =	shalt  }
0x67: {  	_ =	shalt  }
0x68: {  	_ =	shalt  }
0x69: {  	_ =	shalt  }
0x6a: {  	_ =	shalt  }
0x6b: {  	_ =	shalt  }
0x6c: {  	_ =	shalt  }
0x6d: {  	_ =	shalt  }
0x6e: {  	_ =	shalt  }
0x6f: {  	_ =	shalt  }
0x70: {  	_ =	shalt  }
0x71: {  	_ =	shalt  }
0x72: {  	_ =	shalt  }
0x73: {  	_ =	shalt  }
0x74: {  	_ =	shalt  }
0x75: {  	_ =	shalt  }
0x76: {  	_ =	shalt  }
0x77: {  	_ =	shalt  }
0x78: {  	_ =	shalt  }
0x79: {  	_ =	shalt  }
0x7a: {  	_ =	shalt  }
0x7b: {  	_ =	shalt  }
0x7c: {  	_ =	shalt  }
0x7d: {  	_ =	shalt  }
0x7e: {  	_ =	shalt  }
0x7f: {  	_ =	shalt  }
0x80: {  	_ =	shalt  }
0x81: {  	_ =	shalt  }
0x82: {  	_ =	shalt  }
0x83: {  	_ =	shalt  }
0x84: {  	_ =	shalt  }
0x85: {  	_ =	shalt  }
0x86: {  	_ =	shalt  }
0x87: {  	_ =	shalt  }
.Lfunc_end0:
.L_simem_size_0:
called_computation_lowered:
.L_overlay_start_0:
0x88: {  	s2 =	sld [smem:$0x3FD9]  }
0x89: {  	s3 =	sld [smem:$0x3FFE];
	_ =	sdelay $0x1  }
0x8a: {  	s1 =	srdreg.scid  }
0x8b: {  	s0 =	sand.u32 $0x1, s1  }
0x8c: {  	s16 =	sshll.u32 s0, $0xA;
	s2 =	sadd.s32 s3, s2  }
0x8d: {  	s2 =	sadd.s32 s2, s16  }
0x8e: {  	[smem:$0x3FC4] =	sst s2  }
0x8f: {  	_ = 	snop  }
0x90: {  	(tm) =	ssettm $0x1  }
0x91: {  	s17 =	sld [smem:$0x3FFB];
	_ =	sdelay $0x3  }
0x92: {  	_ =	strace s17  }
0x93: {  	s2 =	sld [smem:$0x3FFC];
	_ =	sdelay $0x3  }
0x94: {  	_ =	strace s2  }
0x95: {  	s2 =	sld [smem:$0x3FFD];
	_ =	sdelay $0x3  }
0x96: {  	_ =	strace s2  }
0x97: {  	_ =	strace $0x8FFFFFFF  }
0x98: {  	s18 =	sld [smem:$0x3FDB];
	_ =	sdelay $0x1  }
0x99: {  	s19 =	simm.s32 $_scs_section_size  }
0x9a: {  	s4 =	simm.s32 $_size__tile_overlayer_lowered;
	s5 =	simm.s32 $_tile_overlayer_lowered  }
0x9b: {  	s22 =	simm.s32 $0x1BFF;
	s21 =	sshll.u32 s5, $0x1;
	s2 =	sadd.s32 s19, s18  }
0x9c: {  	s6 =	simm.s32 $0x0;
	s20 =	sshll.u32 s4, $0x1;
	s4 =	sadd.s32 s21, s2  }
0x9d: {  	[timem:s6], [sflag:s22] =	dma.local [hbm:s4], s20  }
0x9e: {  	_ =	swait.ge [sflag:s22], s20  }
0x9f: {  	s3 =	ssub.s32 $0x0, s20;
	[sflag:s22] =	ssyncset.done $0x0  }
0xa0: {  	[sflag:s22] =	ssyncadd.s32 s3;
	_ =	sdelay $0x1  }
0xa1: {  	s23 =	simm.s32 $0x1B8B  }
0xa2: {  	_ =	swait.ge [sflag:s23], $0x1  }
0xa3: {  	[sflag:s23] =	ssyncset.done $0x0  }
0xa4: {  	s25 =	simm.s32 $0x1B8E;
	s24 =	sld [smem:$0x3FFE];
	[sflag:s23] =	ssyncadd.s32 $0xFFFFFFFF  }
0xa5: {  	s26 =	simm.s32 $execute0_lowered;
	[smem:$0x3FD2] =	sst s25  }
0xa6: {  	s4 =	sshll.u32 s26, $0x1;
	_ =	strace $0x80000046;
	[dreg:$0x1] =	wrdreg $0xFFFFFFFF  }
0xa7: {  	s28 =	simm.s32 $_size_execute0_lowered;
	s2 =	sadd.s32 s2, s4;
	[dreg:$0x0] =	wrdreg $0x0  }
0xa8: {  	s4 =	sshll.u32 s28, $0x1;
	[dreg:$0x2] =	wrdreg s2  }
0xa9: {  	[dreg:$0x3] =	wrdreg s4  }
0xaa: {  	[dreg:$0x4] =	wrdreg $0xC0  }
0xab: {  	_ =	task [dreg:s6], $0x5FFFF  }
0xac: {  	[dreg:$0x1] =	wrdreg $0xFFFFFFFF  }
0xad: {  	[dreg:$0x0] =	wrdreg $0x60  }
0xae: {  	[dreg:$0x2] =	wrdreg s24  }
0xaf: {  	[dreg:$0x3] =	wrdreg $0x2FD00  }
0xb0: {  	[dreg:$0x4] =	wrdreg $0x9  }
0xb1: {  	_ =	task.clear_ibuf [dreg:s6], $0x5FFFF;
	_ =	strace $0x90000046  }
0xb2: {  	s29 =	simm.s32 $0x9;
	_ =	strace $0x80000048  }
0xb3: {  	_ =	swait.ge [sflag:s29], $0x1  }
0xb4: {  	[sflag:s29] =	ssyncadd.s32 $0xFFFFFFFF  }
0xb5: {  	_ =	strace $0x90000048  }
0xb6: {  	_ =	sfence  }
0xb7: {  	s30 =	sld [smem:$0x0];
	_ =	sdelay $0x2  }
0xb8: {  	s31 =	sshll.u32 s1, $0xD;
	s1 =	sshrl.u32 s1, $0x2  }
0xb9: {  	s3 =	sand.u32 $0x4000, s31;
	s1 =	sadd.s32 s1, s30  }
0xba: {  	s0 =	sor.u32 s3, s0;
	s1 =	sshll.u32 s1, $0x11  }
0xbb: {  	s0 =	sor.u32 s1, s0  }
0xbc: {  	s0 =	sadd.s32 $0x8F2B, s0  }
0xbd: {  	[sflag:s0] =	ssyncadd.remote.s32 $0x1  }
0xbe: {  	_ =	sfence.sel $0xFFFF  }
0xbf: {  	[dreg:$0x0] =	wrdreg $0xFFFFFFFF;
	(pc) =	sbr.abs _section_cstart, $3  }
0xc0: {  	[dreg:$0x1] =	wrdreg $0xFFFFFFFF  }
0xc1: {  	_ =	task.clear_ibuf [dreg:s6], $0x2FFFF;
	_ =	strace $0x9FFFFFFF  }
0xc2: {  	(tm) =	ssettm $0x7FFFFFFF  }
0xc3: {  	_ =	shalt  }
tec
execute0_lowered:
.L_overlay_start_1:
0x0: {  	(tag) =	ssettag $0x1  }
0x1: {  	s5 =	rddreg [dreg:$0x0]  }
0x2: {  	s2 =	rddreg [dreg:$0x1]  }
0x3: {  	s0 =	rddreg [dreg:$0x2]  }
0x4: {  	s1 =	stileid.u32;
	s4 =	srdreg.scid  }
0x5: {  	s3 =	simm.s32 $0x0;
	s12 =	simm.s32 $0x2800;
	s13 =	simm.s32 $0x7D  }
0x6: {  	s14 =	simm.s32 $0x0;
	s6 =	smul.u32 $0x2800, s1;
	s7 =	sand.u32 $0x1, s4  }
0x7: {  	[smem:$0x7FF] =	sst s3;
	s4 =	sadd.s32 $0xC600, s5;
	s8 =	smul.u32 $0x28000, s7  }
0x8: {  	s31 =	sshll.u32 s1, $0x6;
	_ =	strace $0x80000047;
	s7 =	ssub.s32 $0x2, s7  }
0x9: {  	s9 =	sshrl.u32 s6, $0x3;
	s10 =	sshrl.u32 s7, $0x1;
	s8 =	sadd.s32 s6, s8  }
0xa: {  	s11 =	sadd.s32 s6, s2;
	s9 =	sadd.s32 s9, s5;
	s8 =	sshrl.u32 s8, $0x3  }
0xb: {  	s10 =	ssub.s32 s7, s10;
	s6 =	sor.u32 $0x1C01, s31;
	s8 =	sadd.s32 s8, s5  }
0xc: {  	s5 =	sadd.s32 $0xC800, s9;
	s9 =	smax.u32 s10, $0x1;
	s10 =	sshrl.u32 s11, $0x3  }
0xd: {  	s11 =	simm.s32 $0x1;
	s7 =	sadd.s32 $0x2600, s8;
	s8 =	sadd.s32 $0x11800, s8  }
.LBB2_1:
0xe: {  	[spmem:s10], [sflag:s6] =	dma.local [hbm:s5], $0x500  }
0xf: {  	_ =	swait.ge [sflag:s11], $0x500  }
0x10: {  	[sflag:s11] =	ssyncset.done $0x0  }
0x11: {  	[sflag:s11] =	ssyncadd.s32 $0xFFFFFB00  }
0x12: {  	[tilespmem:s3], [sflag:$0x1] =	stream.linear.gather [hbm4b:s7+s3], $0x2800, $0x38;
	[tilespmem:$0x57D0] =	vst v63  }
0x13: {  	_ =	swait.ge [sflag:s11], $0x2800  }
0x14: {  	[sflag:s11] =	ssyncset.done $0x0  }
0x15: {  	[sflag:s11] =	ssyncadd.s32 $0xFFFFD800  }
0x16: {  	[tilespmem:s12], [sflag:$0x1] =	stream.linear.gather [hbm4b:s4+s3], $0x7D0, $0x38;
	[tilespmem:$0x57D0] =	vst v63  }
0x17: {  	_ =	swait.ge [sflag:s11], $0x7D0  }
0x18: {  	[sflag:s11] =	ssyncset.done $0x0  }
0x19: {  	[sflag:s11] =	ssyncadd.s32 $0xFFFFF830  }
0x1a: {  	s15 =	simm.s32 $0x0;
	[bflag:$0x0] =	sbarrier.arrive $0xFFFF  }
0x1b: {  	[spmem:s2] =	stream.indirect.scatter.add.f32 [tilespmem:s12], [sflag:$0x1], $0x10, s15, s13, $0xb8;
	[tilespmem:$0x57D0] =	vst v63  }
0x1c: {  	_ =	swait.ge [sflag:s11], $0x7D0  }
0x1d: {  	s15 =	simm.s32 $0x200;
	[sflag:s11] =	ssyncset.done $0x0  }
.LBB2_2:
0x1e: {  	s16 =	sshra.s32 s15, $0x2;
	[sflag:s11] =	ssyncadd.s32 $0xFFFFF830;
	p0 =	sne.s32 s15, $0x9E00  }
0x1f: {  	[spmem:s2] =	stream.indirect.scatter.add.f32 [tilespmem:s12], [sflag:$0x1], $0x10, s16, s13, $0xb8;
	[tilespmem:$0x57D0] =	vst v63  }
.Ltmp0:
0x20: {  	_ = 	snop;
	(pc) =	sbr.rel @p0 .LBB2_2-.Ltmp0, $4  }
0x21: {  	_ = 	snop  }
0x22: {  	s15 =	sadd.s32 $0x200, s15  }
0x23: {  	_ =	swait.ge [sflag:s11], $0x7D0  }
0x24: {  	[sflag:s11] =	ssyncset.done $0x0  }
0x25: {  	s14 =	sadd.s32 $0x1, s14  }
0x26: {  	[sflag:s11] =	ssyncadd.s32 $0xFFFFF830;
	p0 =	sne.s32 s14, s9  }
.Ltmp1:
0x27: {  	[bflag:$0x0] =	sbarrier.arrive $0xFFFF;
	(pc) =	sbr.rel @p0 .LBB2_1-.Ltmp1, $4  }
0x28: {  	[hbm:s8], [sflag:s6] =	dma.local [spmem:s10], $0x500  }
0x29: {  	_ =	swait.ge [sflag:s11], $0x500  }
0x2a: {  	[sflag:s11] =	ssyncset.done $0x0  }
0x2b: {  	[sflag:s11] =	ssyncadd.s32 $0xFFFFFB00  }
0x2c: {  	_ =	sfence.sel $0x180000  }
0x2d: {  	[bflag:$0x0] =	sbarrier.arrive $0xFFFF  }
0x2e: {  	p0 =	sne.s32 s1, $0x0;
	_ =	strace $0x90000047  }
0x2f: {  	s0 =	sadd.s32 @!p0 $0x100000, s0;
	[bflag:$0x2] =	sbarrier.arrive $0xFFFF  }
0x30: {  	[sflag:s0] =	ssyncadd.tile.s32 @!p0 $0x1;
	_ =	shalt  }
.Lfunc_end2:
_tile_overlayer_lowered:
.L_overlay_start_2:
0x31: {  	(tag) =	ssettag $0x2  }
0x32: {  	s0 =	rddreg [dreg:$0x0];
	s2 =	stileid.u32  }
0x33: {  	s1 =	rddreg [dreg:$0x1];
	p0 =	sne.s32 s2, $0x0  }
0x34: {  	s3 =	rddreg [dreg:$0x2];
	[bflag:$0x3] =	sbarrier.arrive $0xFFFF;
	s2 =	simm.s32 @!p0 $0x1C01  }
0x35: {  	[timem:s3], [sflag:s2] =	dma.local @!p0 [hbm:s0], s1  }
0x36: {  	s0 =	simm.s32 @!p0 $0x1  }
0x37: {  	_ =	swait.ge @!p0 [sflag:s0], s1  }
0x38: {  	s1 =	ssub.s32 @!p0 $0x0, s1;
	[sflag:s0] =	ssyncset.done @!p0 $0x0  }
0x39: {  	[sflag:s0] =	ssyncadd.s32 @!p0 s1  }
0x3a: {  	[bflag:$0x3] =	sbarrier.arrive $0xFFFF  }
0x3b: {  	_ =	shalt  }

// kernel: kernel.9.cloned.1.call-start
scs
__scs_entry_jumppad:
0x0: {  	(pc) =	sbr.rel $0x88, $3  }
0x1: {  	(tag) =	ssettag $0x0;
	lr =	simm.s32 $0x1  }
0x2: {  	[smem:$0x3F9D] =	sst lr;
	_ =	strace $0xD0000000  }
0x3: {  	_ = 	snop  }
0x4: {  	_ = 	snop  }
0x5: {  	_ = 	snop  }
0x6: {  	_ = 	snop  }
0x7: {  	_ = 	snop  }
__scs_overlays_trampoline_lowered:
0x8: {  	[smem:$0x3FAC] =	sst s0  }
0x9: {  	[smem:$0x3FAD] =	sst s1  }
0xa: {  	[smem:$0x3FAE] =	sst s2  }
0xb: {  	[smem:$0x3FAF] =	sst s3  }
0xc: {  	[smem:$0x3FB0] =	sst s4  }
0xd: {  	[smem:$0x3FB1] =	sst s5  }
0xe: {  	[smem:$0x3FB2] =	sst s6  }
0xf: {  	[smem:$0x3FB3] =	sst s7  }
0x10: {  	[smem:$0x3FB4] =	sst s8  }
0x11: {  	[smem:$0x3FB5] =	sst s9;
	s0 =	simm.s32 @!p0 $0x0  }
0x12: {  	s1 =	sld [smem:$0x3F9B];
	s0 =	simm.s32 @p0 $0x1  }
0x13: {  	[smem:$0x3FB6] =	sst s0;
	s0 =	simm.s32 @!p1 $0x0  }
0x14: {  	s2 =	sld [smem:$0x3F9A];
	s0 =	simm.s32 @p1 $0x1  }
0x15: {  	[smem:$0x3FB7] =	sst s0;
	s0 =	simm.s32 @!p2 $0x0  }
0x16: {  	s3 =	sld [smem:$0x3FDB];
	s0 =	simm.s32 @p2 $0x1  }
0x17: {  	s4 =	simm.s32 $0x1BF5;
	[smem:$0x3FB9] =	sst s0  }
0x18: {  	s0 =	sld [smem:$0x3F9C];
	_ =	swait.ge [sflag:s4], $0x0  }
0x19: {  	s7 =	sld [smem:$0x3F9D]  }
0x1a: {  	s8 =	sadd.s32 $0xFFFFE003, lr  }
0x1b: {  	s9 =	sadd.s32 $0xFFFFFEF7, lr;
	s5 =	simm.s32 $0xFFFFFFFF;
	p2 =	slt.u32 s8, $0xFFFFF086  }
0x1c: {  	p1 =	slt.u32 s9, $0xF7A;
	s5 =	simm.s32 @!p2 $0x0  }
0x1d: {  	s5 =	simm.s32 @p1 $0x1;
	p0 =	seq.s32 s7, s2  }
0x1e: {  	s7 =	smul.u32 @!p0 $0xF7A, s2;
	p2 =	seq.s32 @!p0 s5, $0x0  }
0x1f: {  	s9 =	smul.u32 $0xF7A, s1;
	s8 =	simm.s32 @!p0 $0x1BF5;
	p2 =	por !p2, p0  }
0x20: {  	[sflag:s8] =	ssyncset.s32 @!p0 $0xFFFFF086;
	s6 =	sadd.s32 @!p0 s3, s7;
	s7 =	simm.s32 @!p0 $0x108  }
0x21: {  	s3 =	sadd.s32 s3, s9;
	s6 =	sadd.s32 @!p0 $0x88, s6;
	s7 =	simm.s32 @p2 $0x1082  }
0x22: {  	[simem:s7], [sflag:s8] =	dma.local @!p0 [hbm:s6], $0xF7A  }
0x23: {  	s9 =	sor.u32 $0xD0000000, s2;
	s6 =	simm.s32 $0x108;
	_ =	swait.ge @!p0 [sflag:s8], $0x0  }
0x24: {  	s3 =	sadd.s32 $0x88, s3;
	s6 =	simm.s32 @!p1 $0x1082;
	[sflag:s4] =	ssyncset.s32 $0xFFFFF086  }
0x25: {  	[simem:s6], [sflag:s4] =	dma.local [hbm:s3], $0xF7A  }
0x26: {  	[smem:$0x3F9D] =	sst s1;
	(tag) =	ssettag s2;
	_ =	strace s9  }
0x27: {  	s1 =	sld [smem:$0x3FAD]  }
0x28: {  	s2 =	sld [smem:$0x3FAE]  }
0x29: {  	s4 =	sld [smem:$0x3FB0]  }
0x2a: {  	p0 =	seq.s32 s5, $0x0;
	s5 =	sld [smem:$0x3FB1]  }
0x2b: {  	s6 =	sld [smem:$0x3FB2]  }
0x2c: {  	s7 =	sld [smem:$0x3FB3]  }
0x2d: {  	s3 =	simm.s32 $0x108;
	s8 =	sld [smem:$0x3FB4]  }
0x2e: {  	s3 =	simm.s32 @!p0 $0x1082;
	s9 =	sld [smem:$0x3FB5]  }
0x2f: {  	lr =	sadd.s32 s0, s3;
	s0 =	sld [smem:$0x3FAC]  }
0x30: {  	s3 =	sld [smem:$0x3FAF]  }
0x31: {  	[smem:$0x3FB8] =	sst s10  }
0x32: {  	s10 =	sld [smem:$0x3FB6];
	_ =	sdelay $0x3  }
0x33: {  	p0 =	seq.s32 s10, $0x1;
	s10 =	sld [smem:$0x3FB8];
	_ =	sdelay $0x3  }
0x34: {  	[smem:$0x3FB8] =	sst s10  }
0x35: {  	s10 =	sld [smem:$0x3FB7];
	_ =	sdelay $0x3  }
0x36: {  	p1 =	seq.s32 s10, $0x1;
	s10 =	sld [smem:$0x3FB8];
	_ =	sdelay $0x3  }
0x37: {  	[smem:$0x3FB8] =	sst s10  }
0x38: {  	s10 =	sld [smem:$0x3FB9]  }
0x39: {  	_ = 	snop;
	(pc) =	sbr.ind lr, $3  }
0x3a: {  	_ = 	snop  }
0x3b: {  	_ = 	snop  }
0x3c: {  	p2 =	seq.s32 s10, $0x1;
	s10 =	sld [smem:$0x3FB8]  }
0x3d: {  	_ =	shalt  }
0x3e: {  	_ =	shalt  }
0x3f: {  	_ =	shalt  }
0x40: {  	_ =	shalt  }
0x41: {  	_ =	shalt  }
0x42: {  	_ =	shalt  }
0x43: {  	_ =	shalt  }
0x44: {  	_ =	shalt  }
0x45: {  	_ =	shalt  }
0x46: {  	_ =	shalt  }
0x47: {  	_ =	shalt  }
0x48: {  	_ =	shalt  }
0x49: {  	_ =	shalt  }
0x4a: {  	_ =	shalt  }
0x4b: {  	_ =	shalt  }
0x4c: {  	_ =	shalt  }
0x4d: {  	_ =	shalt  }
0x4e: {  	_ =	shalt  }
0x4f: {  	_ =	shalt  }
0x50: {  	_ =	shalt  }
0x51: {  	_ =	shalt  }
0x52: {  	_ =	shalt  }
0x53: {  	_ =	shalt  }
0x54: {  	_ =	shalt  }
0x55: {  	_ =	shalt  }
0x56: {  	_ =	shalt  }
0x57: {  	_ =	shalt  }
0x58: {  	_ =	shalt  }
0x59: {  	_ =	shalt  }
0x5a: {  	_ =	shalt  }
0x5b: {  	_ =	shalt  }
0x5c: {  	_ =	shalt  }
0x5d: {  	_ =	shalt  }
0x5e: {  	_ =	shalt  }
0x5f: {  	_ =	shalt  }
0x60: {  	_ =	shalt  }
0x61: {  	_ =	shalt  }
0x62: {  	_ =	shalt  }
0x63: {  	_ =	shalt  }
0x64: {  	_ =	shalt  }
0x65: {  	_ =	shalt  }
0x66: {  	_ =	shalt  }
0x67: {  	_ =	shalt  }
0x68: {  	_ =	shalt  }
0x69: {  	_ =	shalt  }
0x6a: {  	_ =	shalt  }
0x6b: {  	_ =	shalt  }
0x6c: {  	_ =	shalt  }
0x6d: {  	_ =	shalt  }
0x6e: {  	_ =	shalt  }
0x6f: {  	_ =	shalt  }
0x70: {  	_ =	shalt  }
0x71: {  	_ =	shalt  }
0x72: {  	_ =	shalt  }
0x73: {  	_ =	shalt  }
0x74: {  	_ =	shalt  }
0x75: {  	_ =	shalt  }
0x76: {  	_ =	shalt  }
0x77: {  	_ =	shalt  }
0x78: {  	_ =	shalt  }
0x79: {  	_ =	shalt  }
0x7a: {  	_ =	shalt  }
0x7b: {  	_ =	shalt  }
0x7c: {  	_ =	shalt  }
0x7d: {  	_ =	shalt  }
0x7e: {  	_ =	shalt  }
0x7f: {  	_ =	shalt  }
0x80: {  	_ =	shalt  }
0x81: {  	_ =	shalt  }
0x82: {  	_ =	shalt  }
0x83: {  	_ =	shalt  }
0x84: {  	_ =	shalt  }
0x85: {  	_ =	shalt  }
0x86: {  	_ =	shalt  }
0x87: {  	_ =	shalt  }
.Lfunc_end0:
.L_simem_size_0:
called_computation.1_lowered:
.L_overlay_start_0:
0x88: {  	s2 =	sld [smem:$0x3FD9]  }
0x89: {  	s3 =	sld [smem:$0x3FFE];
	_ =	sdelay $0x1  }
0x8a: {  	s1 =	srdreg.scid  }
0x8b: {  	s0 =	sand.u32 $0x1, s1  }
0x8c: {  	s17 =	sshll.u32 s0, $0xA;
	s2 =	sadd.s32 s3, s2  }
0x8d: {  	s2 =	sadd.s32 s2, s17  }
0x8e: {  	[smem:$0x3FC4] =	sst s2  }
0x8f: {  	_ = 	snop  }
0x90: {  	s2 =	sld [smem:$0x3FD0];
	(tm) =	ssettm $0x1  }
0x91: {  	s18 =	sld [smem:$0x3FFB];
	_ =	sdelay $0x3  }
0x92: {  	_ =	strace s18  }
0x93: {  	s3 =	sld [smem:$0x3FFC];
	_ =	sdelay $0x3  }
0x94: {  	_ =	strace s3  }
0x95: {  	s3 =	sld [smem:$0x3FFD];
	_ =	sdelay $0x3  }
0x96: {  	_ =	strace s3  }
0x97: {  	_ =	strace $0x8FFFFFFF  }
0x98: {  	s19 =	sld [smem:$0x3FDB];
	_ =	sdelay $0x1  }
0x99: {  	s4 =	simm.s32 $_scs_section_size  }
0x9a: {  	s5 =	simm.s32 $_size__tile_overlayer_lowered;
	s6 =	simm.s32 $_tile_overlayer_lowered  }
0x9b: {  	s22 =	simm.s32 $0x1BFF;
	s21 =	sshll.u32 s6, $0x1;
	s3 =	sadd.s32 s4, s19  }
0x9c: {  	s7 =	simm.s32 $0x0;
	s20 =	sshll.u32 s5, $0x1;
	s5 =	sadd.s32 s21, s3  }
0x9d: {  	[timem:s7], [sflag:s22] =	dma.local [hbm:s5], s20  }
0x9e: {  	_ =	swait.ge [sflag:s22], s20  }
0x9f: {  	s4 =	ssub.s32 $0x0, s20;
	[sflag:s22] =	ssyncset.done $0x0  }
0xa0: {  	[sflag:s22] =	ssyncadd.s32 s4;
	_ =	sdelay $0x1  }
0xa1: {  	s23 =	simm.s32 $0x1B8B  }
0xa2: {  	_ =	swait.ge [sflag:s23], $0x1  }
0xa3: {  	[sflag:s23] =	ssyncset.done $0x0  }
0xa4: {  	s25 =	simm.s32 $0x1B8E;
	s24 =	sld [smem:$0x3FFE];
	[sflag:s23] =	ssyncadd.s32 $0xFFFFFFFF  }
0xa5: {  	s26 =	simm.s32 $execute0_lowered;
	[smem:$0x3FD2] =	sst s25  }
0xa6: {  	s5 =	sshll.u32 s26, $0x1;
	_ =	strace $0x80000049;
	[dreg:$0x1] =	wrdreg $0xFFFFFFFF  }
0xa7: {  	s28 =	simm.s32 $_size_execute0_lowered;
	s3 =	sadd.s32 s3, s5;
	[dreg:$0x0] =	wrdreg $0x0  }
0xa8: {  	s5 =	sshll.u32 s28, $0x1;
	[dreg:$0x2] =	wrdreg s3  }
0xa9: {  	[dreg:$0x3] =	wrdreg s5  }
0xaa: {  	[dreg:$0x4] =	wrdreg $0xC0  }
0xab: {  	_ =	task [dreg:s7], $0x5FFFF  }
0xac: {  	[dreg:$0x1] =	wrdreg $0xFFFFFFFF  }
0xad: {  	[dreg:$0x0] =	wrdreg $0x60  }
0xae: {  	[dreg:$0x2] =	wrdreg s24  }
0xaf: {  	[dreg:$0x3] =	wrdreg s2  }
0xb0: {  	[dreg:$0x4] =	wrdreg $0x11D000  }
0xb1: {  	[dreg:$0x5] =	wrdreg $0x9  }
0xb2: {  	_ =	task.clear_ibuf [dreg:s7], $0x6FFFF;
	_ =	strace $0x90000049  }
0xb3: {  	s29 =	simm.s32 $0x9;
	_ =	strace $0x8000004B  }
0xb4: {  	_ =	swait.ge [sflag:s29], $0x1  }
0xb5: {  	[sflag:s29] =	ssyncadd.s32 $0xFFFFFFFF  }
0xb6: {  	_ =	strace $0x9000004B  }
0xb7: {  	_ =	sfence  }
0xb8: {  	s30 =	sld [smem:$0x0];
	_ =	sdelay $0x2  }
0xb9: {  	s31 =	sshll.u32 s1, $0xD;
	s1 =	sshrl.u32 s1, $0x2  }
0xba: {  	s3 =	sand.u32 $0x4000, s31;
	s1 =	sadd.s32 s1, s30  }
0xbb: {  	s0 =	sor.u32 s3, s0;
	s1 =	sshll.u32 s1, $0x11  }
0xbc: {  	s0 =	sor.u32 s1, s0  }
0xbd: {  	s0 =	sadd.s32 $0x8F2B, s0  }
0xbe: {  	[sflag:s0] =	ssyncadd.remote.s32 $0x1  }
0xbf: {  	_ =	sfence.sel $0xFFFF  }
0xc0: {  	[dreg:$0x0] =	wrdreg $0xFFFFFFFF;
	(pc) =	sbr.abs _section_cstart, $3  }
0xc1: {  	[dreg:$0x1] =	wrdreg $0xFFFFFFFF  }
0xc2: {  	_ =	task.clear_ibuf [dreg:s7], $0x2FFFF;
	_ =	strace $0x9FFFFFFF  }
0xc3: {  	(tm) =	ssettm $0x7FFFFFFF  }
tec
execute0_lowered:
.L_overlay_start_1:
0x0: {  	(tag) =	ssettag $0x1  }
0x1: {  	s0 =	rddreg [dreg:$0x0]  }
0x2: {  	s1 =	rddreg [dreg:$0x1]  }
0x3: {  	s2 =	rddreg [dreg:$0x2]  }
0x4: {  	s12 =	stileid.u32;
	s4 =	srdreg.scid  }
0x5: {  	s3 =	simm.s32 $0x0;
	s14 =	simm.s32 $0x7D;
	s15 =	simm.s32 $0xA000  }
0x6: {  	s17 =	simm.s32 $0xBF40;
	s19 =	simm.s32 $0xDE80;
	s21 =	simm.s32 $0xFDC0  }
0x7: {  	s22 =	simm.s32 $0x1;
	s23 =	simm.s32 $0x2;
	s24 =	simm.s32 $0x3  }
0x8: {  	s28 =	simm.s32 $0x6;
	s29 =	simm.s32 $0x7;
	s30 =	simm.s32 $0x8  }
0x9: {  	s16 =	simm.s32 $0x0;
	s7 =	smul.u32 $0xA000, s12;
	s5 =	sand.u32 $0x1, s4  }
0xa: {  	[smem:$0x7FF] =	sst s3;
	s4 =	sadd.s32 $0x2600, s0;
	s10 =	smul.u32 $0x5000, s12  }
0xb: {  	s31 =	sshll.u32 s12, $0x6;
	s6 =	smul.u32 $0xA0000, s5;
	_ =	strace $0x8000004A  }
0xc: {  	s9 =	sshll.u32 s5, $0x4;
	s5 =	ssub.s32 $0x2, s5;
	s8 =	sshrl.u32 s7, $0x3  }
0xd: {  	s9 =	sor.u32 s12, s9;
	s10 =	sshrl.u32 s10, $0x3;
	s25 =	sshrl.u32 s5, $0x1  }
0xe: {  	s26 =	sadd.s32 s7, s2;
	s12 =	sor.u32 $0x1C09, s31;
	s6 =	sadd.s32 s7, s6  }
0xf: {  	s8 =	sadd.s32 s8, s0;
	s9 =	smul.u32 $0xA00, s9;
	s10 =	sadd.s32 s1, s10  }
0x10: {  	s11 =	ssub.s32 s5, s25;
	s13 =	sshrl.u32 s26, $0x3;
	s25 =	simm.s32 $0x4  }
0x11: {  	s26 =	simm.s32 $0x5;
	s6 =	sshrl.u32 s6, $0x3;
	s7 =	sadd.s32 $0x2A600, s8  }
0x12: {  	s0 =	sadd.s32 s6, s0;
	s5 =	sadd.s32 s1, s9;
	s6 =	sadd.s32 $0x14000, s10  }
0x13: {  	s9 =	smax.u32 s11, $0x1;
	s10 =	simm.s32 $0x9;
	s1 =	simm.s32 $0x9F00  }
0x14: {  	s11 =	simm.s32 $0x9F80;
	s8 =	sadd.s32 $0x3E600, s0;
	s0 =	simm.s32 $0x9E80  }
.LBB2_1:
0x15: {  	[tilespmem:s3], [sflag:$0x9] =	stream.linear.gather [hbm4b:s5+s3], $0x5000, $0x38;
	[tilespmem:$0x1BD00] =	vst v63  }
0x16: {  	_ =	swait.ge [sflag:s10], $0x5000  }
0x17: {  	[sflag:s10] =	ssyncset.done $0x0  }
0x18: {  	s18 =	simm.s32 $0x5000;
	[sflag:s10] =	ssyncadd.s32 $0xFFFFB000  }
0x19: {  	[tilespmem:s18], [sflag:$0x9] =	stream.linear.gather [hbm4b:s6+s3], $0x5000, $0x38;
	[tilespmem:$0x1BD00] =	vst v63  }
0x1a: {  	_ =	swait.ge [sflag:s10], $0x5000  }
0x1b: {  	[sflag:s10] =	ssyncset.done $0x0  }
0x1c: {  	[sflag:s10] =	ssyncadd.s32 $0xFFFFB000  }
0x1d: {  	[spmem:s13], [sflag:s12] =	dma.local [hbm:s7], $0x1400  }
0x1e: {  	_ =	swait.ge [sflag:s10], $0x1400  }
0x1f: {  	[sflag:s10] =	ssyncset.done $0x0  }
0x20: {  	[sflag:s10] =	ssyncadd.s32 $0xFFFFEC00  }
0x21: {  	[bflag:$0x0] =	sbarrier.arrive $0xFFFF  }
0x22: {  	[tilespmem:s15], [sflag:$0x1] =	stream.indirect.gather [hbm4b:s4+s14], $0x40, s3, s14, $0xb8;
	[tilespmem:$0x1BD00] =	vst v63  }
0x23: {  	s20 =	simm.s32 $0x80  }
0x24: {  	[tilespmem:s17], [sflag:$0x2] =	stream.indirect.gather [hbm4b:s4+s14], $0x40, s20, s14, $0xb8;
	[tilespmem:$0x1BD00] =	vst v63  }
0x25: {  	s31 =	simm.s32 $0x100  }
0x26: {  	[tilespmem:s19], [sflag:$0x3] =	stream.indirect.gather [hbm4b:s4+s14], $0x40, s31, s14, $0xb8;
	[tilespmem:$0x1BD00] =	vst v63  }
0x27: {  	s20 =	simm.s32 $0x180  }
0x28: {  	[tilespmem:s21], [sflag:$0x4] =	stream.indirect.gather [hbm4b:s4+s14], $0x40, s20, s14, $0xb8;
	[tilespmem:$0x1BD00] =	vst v63  }
0x29: {  	_ =	swait.ge [sflag:s22], $0x1F40  }
0x2a: {  	[sflag:s22] =	ssyncset.done $0x0  }
0x2b: {  	s31 =	simm.s32 $0x5000;
	[sflag:s22] =	ssyncadd.s32 $0xFFFFE0C0  }
0x2c: {  	[spmem:s2] =	stream.indirect.scatter.add.f32 [tilespmem:s15], [sflag:$0x5], $0x40, s31, s14, $0xb8;
	[tilespmem:$0x1BD00] =	vst v63  }
0x2d: {  	_ =	swait.ge [sflag:s23], $0x1F40  }
0x2e: {  	[sflag:s23] =	ssyncset.done $0x0  }
0x2f: {  	s20 =	simm.s32 $0x5080;
	[sflag:s23] =	ssyncadd.s32 $0xFFFFE0C0  }
0x30: {  	[spmem:s2] =	stream.indirect.scatter.add.f32 [tilespmem:s17], [sflag:$0x6], $0x40, s20, s14, $0xb8;
	[tilespmem:$0x1BD00] =	vst v63  }
0x31: {  	_ =	swait.ge [sflag:s24], $0x1F40  }
0x32: {  	[sflag:s24] =	ssyncset.done $0x0  }
0x33: {  	s31 =	simm.s32 $0x5100;
	[sflag:s24] =	ssyncadd.s32 $0xFFFFE0C0  }
0x34: {  	[spmem:s2] =	stream.indirect.scatter.add.f32 [tilespmem:s19], [sflag:$0x7], $0x40, s31, s14, $0xb8;
	[tilespmem:$0x1BD00] =	vst v63  }
0x35: {  	_ =	swait.ge [sflag:s25], $0x1F40  }
0x36: {  	[sflag:s25] =	ssyncset.done $0x0  }
0x37: {  	s20 =	simm.s32 $0x5180;
	[sflag:s25] =	ssyncadd.s32 $0xFFFFE0C0  }
0x38: {  	[spmem:s2] =	stream.indirect.scatter.add.f32 [tilespmem:s21], [sflag:$0x8], $0x40, s20, s14, $0xb8;
	[tilespmem:$0x1BD00] =	vst v63  }
0x39: {  	_ =	swait.ge [sflag:s26], $0x1F40  }
0x3a: {  	[sflag:s26] =	ssyncset.done $0x0  }
0x3b: {  	s31 =	simm.s32 $0x200;
	[sflag:s26] =	ssyncadd.s32 $0xFFFFE0C0  }
0x3c: {  	[tilespmem:s15], [sflag:$0x1] =	stream.indirect.gather [hbm4b:s4+s14], $0x40, s31, s14, $0xb8;
	[tilespmem:$0x1BD00] =	vst v63  }
0x3d: {  	_ =	swait.ge [sflag:s28], $0x1F40  }
0x3e: {  	[sflag:s28] =	ssyncset.done $0x0  }
0x3f: {  	s20 =	simm.s32 $0x280;
	[sflag:s28] =	ssyncadd.s32 $0xFFFFE0C0  }
0x40: {  	[tilespmem:s17], [sflag:$0x2] =	stream.indirect.gather [hbm4b:s4+s14], $0x40, s20, s14, $0xb8;
	[tilespmem:$0x1BD00] =	vst v63  }
0x41: {  	_ =	swait.ge [sflag:s29], $0x1F40  }
0x42: {  	[sflag:s29] =	ssyncset.done $0x0  }
0x43: {  	s31 =	simm.s32 $0x300;
	[sflag:s29] =	ssyncadd.s32 $0xFFFFE0C0  }
0x44: {  	[tilespmem:s19], [sflag:$0x3] =	stream.indirect.gather [hbm4b:s4+s14], $0x40, s31, s14, $0xb8;
	[tilespmem:$0x1BD00] =	vst v63  }
0x45: {  	_ =	swait.ge [sflag:s30], $0x1F40  }
0x46: {  	[sflag:s30] =	ssyncset.done $0x0  }
0x47: {  	s18 =	simm.s32 $0x800;
	s20 =	simm.s32 $0x380;
	[sflag:s30] =	ssyncadd.s32 $0xFFFFE0C0  }
.LBB2_2:
0x48: {  	[tilespmem:s21], [sflag:$0x4] =	stream.indirect.gather [hbm4b:s4+s14], $0x40, s20, s14, $0xb8;
	[tilespmem:$0x1BD00] =	vst v63  }
0x49: {  	s20 =	smov.u32 s18  }
0x4a: {  	p0 =	sne.s32 s18, $0x13000;
	s18 =	sadd.s32 $0x800, s18;
	_ =	swait.ge [sflag:s22], $0x1F40  }
0x4b: {  	s20 =	sshra.s32 s20, $0x2;
	[sflag:s22] =	ssyncset.done $0x0  }
0x4c: {  	s31 =	sadd.s32 $0x5000, s20;
	[sflag:s22] =	ssyncadd.s32 $0xFFFFE0C0  }
0x4d: {  	[spmem:s2] =	stream.indirect.scatter.add.f32 [tilespmem:s15], [sflag:$0x5], $0x40, s31, s14, $0xb8;
	[tilespmem:$0x1BD00] =	vst v63  }
0x4e: {  	_ =	swait.ge [sflag:s23], $0x1F40  }
0x4f: {  	[sflag:s23] =	ssyncset.done $0x0  }
0x50: {  	s31 =	sadd.s32 $0x5080, s20;
	[sflag:s23] =	ssyncadd.s32 $0xFFFFE0C0  }
0x51: {  	[spmem:s2] =	stream.indirect.scatter.add.f32 [tilespmem:s17], [sflag:$0x6], $0x40, s31, s14, $0xb8;
	[tilespmem:$0x1BD00] =	vst v63  }
0x52: {  	_ =	swait.ge [sflag:s24], $0x1F40  }
0x53: {  	[sflag:s24] =	ssyncset.done $0x0  }
0x54: {  	s31 =	sadd.s32 $0x5100, s20;
	[sflag:s24] =	ssyncadd.s32 $0xFFFFE0C0  }
0x55: {  	[spmem:s2] =	stream.indirect.scatter.add.f32 [tilespmem:s19], [sflag:$0x7], $0x40, s31, s14, $0xb8;
	[tilespmem:$0x1BD00] =	vst v63  }
0x56: {  	_ =	swait.ge [sflag:s25], $0x1F40  }
0x57: {  	[sflag:s25] =	ssyncset.done $0x0  }
0x58: {  	s31 =	sadd.s32 $0x5180, s20;
	[sflag:s25] =	ssyncadd.s32 $0xFFFFE0C0  }
0x59: {  	[spmem:s2] =	stream.indirect.scatter.add.f32 [tilespmem:s21], [sflag:$0x8], $0x40, s31, s14, $0xb8;
	[tilespmem:$0x1BD00] =	vst v63  }
0x5a: {  	_ =	swait.ge [sflag:s26], $0x1F40  }
0x5b: {  	[sflag:s26] =	ssyncset.done $0x0  }
0x5c: {  	s31 =	sadd.s32 $0x200, s20;
	[sflag:s26] =	ssyncadd.s32 $0xFFFFE0C0  }
0x5d: {  	[tilespmem:s15], [sflag:$0x1] =	stream.indirect.gather [hbm4b:s4+s14], $0x40, s31, s14, $0xb8;
	[tilespmem:$0x1BD00] =	vst v63  }
0x5e: {  	_ =	swait.ge [sflag:s28], $0x1F40  }
0x5f: {  	[sflag:s28] =	ssyncset.done $0x0  }
0x60: {  	s31 =	sadd.s32 $0x280, s20;
	[sflag:s28] =	ssyncadd.s32 $0xFFFFE0C0  }
0x61: {  	[tilespmem:s17], [sflag:$0x2] =	stream.indirect.gather [hbm4b:s4+s14], $0x40, s31, s14, $0xb8;
	[tilespmem:$0x1BD00] =	vst v63  }
0x62: {  	_ =	swait.ge [sflag:s29], $0x1F40  }
0x63: {  	[sflag:s29] =	ssyncset.done $0x0  }
.Ltmp0:
0x64: {  	s31 =	sadd.s32 $0x300, s20;
	[sflag:s29] =	ssyncadd.s32 $0xFFFFE0C0;
	(pc) =	sbr.rel @p0 .LBB2_2-.Ltmp0, $4  }
0x65: {  	[tilespmem:s19], [sflag:$0x3] =	stream.indirect.gather [hbm4b:s4+s14], $0x40, s31, s14, $0xb8;
	[tilespmem:$0x1BD00] =	vst v63  }
0x66: {  	_ =	swait.ge [sflag:s30], $0x1F40  }
0x67: {  	[sflag:s30] =	ssyncset.done $0x0  }
0x68: {  	s20 =	sadd.s32 $0x380, s20;
	[sflag:s30] =	ssyncadd.s32 $0xFFFFE0C0  }
0x69: {  	[tilespmem:s21], [sflag:$0x4] =	stream.indirect.gather [hbm4b:s4+s14], $0x40, s20, s14, $0xb8;
	[tilespmem:$0x1BD00] =	vst v63  }
0x6a: {  	_ =	swait.ge [sflag:s22], $0x1F40  }
0x6b: {  	[sflag:s22] =	ssyncset.done $0x0  }
0x6c: {  	s18 =	simm.s32 $0x9E00;
	[sflag:s22] =	ssyncadd.s32 $0xFFFFE0C0  }
0x6d: {  	[spmem:s2] =	stream.indirect.scatter.add.f32 [tilespmem:s15], [sflag:$0x5], $0x40, s18, s14, $0xb8;
	[tilespmem:$0x1BD00] =	vst v63  }
0x6e: {  	_ =	swait.ge [sflag:s23], $0x1F40  }
0x6f: {  	[sflag:s23] =	ssyncset.done $0x0  }
0x70: {  	[sflag:s23] =	ssyncadd.s32 $0xFFFFE0C0  }
0x71: {  	[spmem:s2] =	stream.indirect.scatter.add.f32 [tilespmem:s17], [sflag:$0x6], $0x40, s0, s14, $0xb8;
	[tilespmem:$0x1BD00] =	vst v63  }
0x72: {  	_ =	swait.ge [sflag:s24], $0x1F40  }
0x73: {  	[sflag:s24] =	ssyncset.done $0x0  }
0x74: {  	[sflag:s24] =	ssyncadd.s32 $0xFFFFE0C0  }
0x75: {  	[spmem:s2] =	stream.indirect.scatter.add.f32 [tilespmem:s19], [sflag:$0x7], $0x40, s1, s14, $0xb8;
	[tilespmem:$0x1BD00] =	vst v63  }
0x76: {  	_ =	swait.ge [sflag:s25], $0x1F40  }
0x77: {  	[sflag:s25] =	ssyncset.done $0x0  }
0x78: {  	[sflag:s25] =	ssyncadd.s32 $0xFFFFE0C0  }
0x79: {  	[spmem:s2] =	stream.indirect.scatter.add.f32 [tilespmem:s21], [sflag:$0x8], $0x40, s11, s14, $0xb8;
	[tilespmem:$0x1BD00] =	vst v63  }
0x7a: {  	_ =	swait.ge [sflag:s26], $0x1F40  }
0x7b: {  	[sflag:s26] =	ssyncset.done $0x0  }
0x7c: {  	[sflag:s26] =	ssyncadd.s32 $0xFFFFE0C0  }
0x7d: {  	_ =	swait.ge [sflag:s28], $0x1F40  }
0x7e: {  	[sflag:s28] =	ssyncset.done $0x0  }
0x7f: {  	[sflag:s28] =	ssyncadd.s32 $0xFFFFE0C0  }
0x80: {  	_ =	swait.ge [sflag:s29], $0x1F40  }
0x81: {  	[sflag:s29] =	ssyncset.done $0x0  }
0x82: {  	[sflag:s29] =	ssyncadd.s32 $0xFFFFE0C0  }
0x83: {  	_ =	swait.ge [sflag:s30], $0x1F40  }
0x84: {  	s16 =	sadd.s32 $0x1, s16;
	[sflag:s30] =	ssyncset.done $0x0  }
0x85: {  	p0 =	sne.s32 s16, s9;
	[sflag:s30] =	ssyncadd.s32 $0xFFFFE0C0  }
.Ltmp1:
0x86: {  	[bflag:$0x0] =	sbarrier.arrive $0xFFFF;
	(pc) =	sbr.rel @p0 .LBB2_1-.Ltmp1, $4  }
0x87: {  	[hbm:s8], [sflag:s12] =	dma.local [spmem:s13], $0x1400  }
0x88: {  	_ =	swait.ge [sflag:s10], $0x1400  }
0x89: {  	[sflag:s10] =	ssyncset.done $0x0  }
0x8a: {  	[sflag:s10] =	ssyncadd.s32 $0xFFFFEC00  }
0x8b: {  	_ =	sfence.sel $0x180000  }
0x8c: {  	[bflag:$0x0] =	sbarrier.arrive $0xFFFF  }
0x8d: {  	_ =	strace $0x9000004A  }
0x8e: {  	s0 =	stileid.u32;
	[bflag:$0x2] =	sbarrier.arrive $0xFFFF  }
0x8f: {  	p0 =	sne.s32 s0, $0x0;
	s0 =	rddreg [dreg:$0x3]  }
0x90: {  	s0 =	sadd.s32 @!p0 $0x100000, s0  }
0x91: {  	[sflag:s0] =	ssyncadd.tile.s32 @!p0 $0x1;
	_ =	shalt  }
.Lfunc_end2:
_tile_overlayer_lowered:
.L_overlay_start_2:
0x92: {  	(tag) =	ssettag $0x2  }
0x93: {  	s0 =	rddreg [dreg:$0x0];
	s2 =	stileid.u32  }
0x94: {  	s1 =	rddreg [dreg:$0x1];
	p0 =	sne.s32 s2, $0x0  }
0x95: {  	s3 =	rddreg [dreg:$0x2];
	[bflag:$0x3] =	sbarrier.arrive $0xFFFF;
	s2 =	simm.s32 @!p0 $0x1C09  }
0x96: {  	[timem:s3], [sflag:s2] =	dma.local @!p0 [hbm:s0], s1  }
0x97: {  	s0 =	simm.s32 @!p0 $0x9  }
0x98: {  	_ =	swait.ge @!p0 [sflag:s0], s1  }
0x99: {  	s1 =	ssub.s32 @!p0 $0x0, s1;
	[sflag:s0] =	ssyncset.done @!p0 $0x0  }
0x9a: {  	[sflag:s0] =	ssyncadd.s32 @!p0 s1  }
0x9b: {  	[bflag:$0x3] =	sbarrier.arrive $0xFFFF  }
0x9c: {  	_ =	shalt  }

</sc_bundles>
